<compile_context>
chip_gen: v7x
topology: tpu7x:2x2x1
jax: 0.10.2.dev20260603
libtpu: 0.0.44.dev20260713+nightly
codegen_flags: <defaults>
</compile_context>

<pallas_src>
import functools

import jax
import jax.numpy as jnp
from jax import lax
from jax.experimental import pallas as pl
from jax.experimental.pallas import tpu as pltpu
from jax.experimental.pallas import tpu_sc as plsc

NUM_DATASETS = 26
EMB = 128
BATCH = 16384

_info = plsc.get_sparse_core_info()
_NC, _NS = _info.num_cores, _info.num_subcores
_NW = _NC * _NS
_B_PER_W = BATCH // _NW
_S = 64
_C = _B_PER_W // _S

_mesh = plsc.VectorSubcoreMesh(core_axis_name="c", subcore_axis_name="s")


@functools.partial(
    pl.kernel,
    mesh=_mesh,
    out_type=jax.ShapeDtypeStruct((BATCH, EMB), jnp.float32),
    scratch_types=[
        pltpu.VMEM((_C, _S), jnp.int32),
        pltpu.VMEM((2, _S, EMB), jnp.float32),
        pltpu.VMEM_SHARED((NUM_DATASETS, EMB), jnp.float32),
        pltpu.SemaphoreType.DMA,
        pltpu.SemaphoreType.DMA,
        pltpu.SemaphoreType.DMA,
    ],
)
def _gather_kernel(idx_hbm, table_hbm, out_hbm, idx_v, buf, table_sh, gsem,
                   wsem0, wsem1):
    sid = lax.axis_index("s")
    wid = sid * _NC + lax.axis_index("c")
    base = wid * _B_PER_W

    @pl.when(sid == 0)
    def _():
        pltpu.sync_copy(table_hbm, table_sh)

    pltpu.sync_copy(idx_hbm.at[wid], idx_v)
    plsc.subcore_barrier()

    wsems = (wsem0, wsem1)
    writes = [None, None]
    for k in range(_C):
        b = k % 2
        if writes[b] is not None:
            writes[b].wait()
        pltpu.async_copy(table_sh.at[idx_v.at[k]], buf.at[b], gsem).wait()
        writes[b] = pltpu.async_copy(
            buf.at[b], out_hbm.at[pl.ds(base + k * _S, _S)], wsems[b])
    writes[(_C - 1) % 2].wait()
    writes[_C % 2].wait()


def kernel(dataset_indices, table):
    idx = dataset_indices.astype(jnp.int32).reshape(_NW, _C, _S)
    return _gather_kernel(idx, table)

# --- scband reference (transcript-rebuilt; emitter-appended) ---
"""Pipeline reference for scband-dataset-embedding-72782515798384 (READ-ONLY COPY).

The authoritative reference and input builder live on the scoring server;
editing this copy changes nothing except your own understanding.
"""

import jax, jax.numpy as jnp
import numpy as np

NUM_DATASETS = 26
EMBEDDING_SIZE = 128
BATCH = 16384


def setup_inputs(seed: int = 0) -> dict:
    key = jax.random.key(seed)
    k1, k2 = jax.random.split(key)
    # Concatenation of the 26 single-row nn.Embedding(1, embedding_size) tables
    table = jax.random.normal(k1, (NUM_DATASETS, EMBEDDING_SIZE), dtype=jnp.float32)
    # dataset_list of strings -> integer ids via dataset_mapping (identity mapping)
    dataset_indices = jax.random.randint(k2, (BATCH,), 0, NUM_DATASETS, dtype=jnp.int64 if jax.config.jax_enable_x64 else jnp.int32)
    return {"dataset_indices": dataset_indices, "table": table}


def reference(dataset_indices, table):
    # enable_grad and training: safety_loss_emb = sum over ALL dataset embeddings * 0.0
    # (keeps every table connected to the graph; numerically zero)
    safety_loss_emb = (table * 0.0).sum(axis=0)
    # torch.stack([emb_dict[ds](0) for ds in dataset_list]) -> gather rows
    out = jnp.take(table, dataset_indices, axis=0)
    # safety term is added only to the embedding at position i == 0
    out = out.at[0].add(safety_loss_emb)
    return out

if __name__ == "__main__":
    import jax
    _d = setup_inputs()
    print(jax.jit(kernel)(*tuple(_d.values())))

</pallas_src>

<mosaic_0001>
#map = affine_map<(d0, d1) -> (0, 0, 0)>
#map1 = affine_map<(d0, d1) -> (0, 0)>
module attributes {stable_mosaic.version = 14 : i64} {
  func.func @_gather_kernel(%arg0: i32, %arg1: i32, %arg2: memref<32x8x64xi32, #tpu.memory_space<hbm>>, %arg3: memref<26x128xf32, #tpu.memory_space<hbm>>, %arg4: memref<16384x128xf32, #tpu.memory_space<hbm>>, %arg5: memref<8x64xi32, #tpu.memory_space<vmem>>, %arg6: memref<2x64x128xf32, #tpu.memory_space<vmem>>, %arg7: memref<26x128xf32, #tpu.memory_space<vmem_shared>>, %arg8: memref<!tpu.dma_semaphore, #tpu.memory_space<semaphore_mem>>, %arg9: memref<!tpu.dma_semaphore, #tpu.memory_space<semaphore_mem>>, %arg10: memref<!tpu.dma_semaphore, #tpu.memory_space<semaphore_mem>>) attributes {dimension_semantics = [#tpu.dimension_semantics<core_parallel>, #tpu.dimension_semantics<subcore_parallel>], iteration_bounds = array<i64: 2, 16>, scalar_prefetch = 0 : i64, scratch_operands = 6 : i64, tpu.core_type = #tpu.core_type<sc_vector_subcore>, window_params = [{transform_indices = #map}, {transform_indices = #map1}, {transform_indices = #map1}]} {
    %mul3A = arith.constant 2 : i32
    %mul3A_0 = arith.muli %arg1, %mul3A : i32
    %add3A = arith.addi %mul3A_0, %arg0 : i32
    %mul3A_1 = arith.constant 512 : i32
    %mul3A_2 = arith.muli %add3A, %mul3A_1 : i32
    %eq3A = arith.constant 0 : i32
    %eq3A_3 = arith.cmpi eq, %arg1, %eq3A : i32
    %convert_element_type3A = arith.extui %eq3A_3 : i1 to i32
    %cond3A = arith.constant 0 : i32
    %cond3A_4 = arith.cmpi ne, %convert_element_type3A, %cond3A : i32
    scf.if %cond3A_4 {
      "tpu.region"() ({
        %run_scoped3A = tpu.sem_alloc : memref<!tpu.dma_semaphore, #tpu.memory_space<semaphore_mem>>
        tpu.enqueue_dma source(%arg3 : memref<26x128xf32, #tpu.memory_space<hbm>>) target(%arg7 : memref<26x128xf32, #tpu.memory_space<vmem_shared>>) target_semaphore(%run_scoped3A : memref<!tpu.dma_semaphore, #tpu.memory_space<semaphore_mem>>)
        tpu.wait_dma2 semaphore(%run_scoped3A : memref<!tpu.dma_semaphore, #tpu.memory_space<semaphore_mem>>) src(%arg3 : memref<26x128xf32, #tpu.memory_space<hbm>>) dst(%arg7 : memref<26x128xf32, #tpu.memory_space<vmem_shared>>)
        tpu.yield
      }) : () -> ()
    } else {
    }
    "tpu.region"() ({
      %run_scoped3A = tpu.sem_alloc : memref<!tpu.dma_semaphore, #tpu.memory_space<semaphore_mem>>
      %dma_start3A_419 = arith.constant 0 : i32
      %dma_start3A_420 = arith.constant 0 : i32
      %dma_start3A_421 = tpu.memref_slice %arg2[%add3A, %dma_start3A_419, %dma_start3A_420] : memref<32x8x64xi32, #tpu.memory_space<hbm>> -> memref<1x8x64xi32, #tpu.memory_space<hbm>>
      %dma_start3A_422 = tpu.memref_squeeze %dma_start3A_421 : memref<1x8x64xi32, #tpu.memory_space<hbm>> -> memref<8x64xi32, #tpu.memory_space<hbm>>
      %dma_start3A_423 = arith.constant 0 : i32
      %dma_start3A_424 = arith.constant 0 : i32
      %dma_start3A_425 = tpu.memref_slice %arg2[%add3A, %dma_start3A_423, %dma_start3A_424] : memref<32x8x64xi32, #tpu.memory_space<hbm>> -> memref<1x8x64xi32, #tpu.memory_space<hbm>>
      %dma_start3A_426 = tpu.memref_squeeze %dma_start3A_425 : memref<1x8x64xi32, #tpu.memory_space<hbm>> -> memref<8x64xi32, #tpu.memory_space<hbm>>
      tpu.enqueue_dma source(%dma_start3A_426 : memref<8x64xi32, #tpu.memory_space<hbm>>) target(%arg5 : memref<8x64xi32, #tpu.memory_space<vmem>>) target_semaphore(%run_scoped3A : memref<!tpu.dma_semaphore, #tpu.memory_space<semaphore_mem>>)
      %dma_wait3A_427 = arith.constant 0 : i32
      %dma_wait3A_428 = arith.constant 0 : i32
      %dma_wait3A_429 = tpu.memref_slice %arg2[%add3A, %dma_wait3A_427, %dma_wait3A_428] : memref<32x8x64xi32, #tpu.memory_space<hbm>> -> memref<1x8x64xi32, #tpu.memory_space<hbm>>
      %dma_wait3A_430 = tpu.memref_squeeze %dma_wait3A_429 : memref<1x8x64xi32, #tpu.memory_space<hbm>> -> memref<8x64xi32, #tpu.memory_space<hbm>>
      %dma_wait3A_431 = arith.constant 0 : i32
      %dma_wait3A_432 = arith.constant 0 : i32
      %dma_wait3A_433 = tpu.memref_slice %arg2[%add3A, %dma_wait3A_431, %dma_wait3A_432] : memref<32x8x64xi32, #tpu.memory_space<hbm>> -> memref<1x8x64xi32, #tpu.memory_space<hbm>>
      %dma_wait3A_434 = tpu.memref_squeeze %dma_wait3A_433 : memref<1x8x64xi32, #tpu.memory_space<hbm>> -> memref<8x64xi32, #tpu.memory_space<hbm>>
      tpu.wait_dma2 semaphore(%run_scoped3A : memref<!tpu.dma_semaphore, #tpu.memory_space<semaphore_mem>>) src(%dma_wait3A_434 : memref<8x64xi32, #tpu.memory_space<hbm>>) dst(%arg5 : memref<8x64xi32, #tpu.memory_space<vmem>>)
      tpu.yield
    }) : () -> ()
    %barrier3A = arith.constant 0 : index
    tpu.barrier barrier_id(%barrier3A)
    %dma_start3A = arith.constant 0 : i32
    %dma_start3A_5 = arith.constant 0 : i32
    %dma_start3A_6 = arith.constant 0 : i32
    %dma_start3A_7 = arith.constant 0 : i32
    %dma_start3A_8 = tpu.memref_slice %arg6[%dma_start3A_5, %dma_start3A_6, %dma_start3A_7] : memref<2x64x128xf32, #tpu.memory_space<vmem>> -> memref<1x64x128xf32, #tpu.memory_space<vmem>>
    %dma_start3A_9 = tpu.memref_squeeze %dma_start3A_8 : memref<1x64x128xf32, #tpu.memory_space<vmem>> -> memref<64x128xf32, #tpu.memory_space<vmem>>
    %dma_start3A_10 = arith.constant 0 : i32
    %dma_start3A_11 = tpu.memref_slice %arg5[%dma_start3A, %dma_start3A_10] : memref<8x64xi32, #tpu.memory_space<vmem>> -> memref<1x64xi32, #tpu.memory_space<vmem>>
    %dma_start3A_12 = tpu.memref_squeeze %dma_start3A_11 : memref<1x64xi32, #tpu.memory_space<vmem>> -> memref<64xi32, #tpu.memory_space<vmem>>
    %dma_start3A_13 = arith.constant 0 : i32
    %dma_start3A_14 = arith.constant 0 : i32
    %dma_start3A_15 = tpu.memref_slice %arg7[%dma_start3A_13, %dma_start3A_14] : memref<26x128xf32, #tpu.memory_space<vmem_shared>> -> memref<26x128xf32, #tpu.memory_space<vmem_shared>>
    tpu.enqueue_indirect_dma source(%dma_start3A_15 : memref<26x128xf32, #tpu.memory_space<vmem_shared>>) target(%dma_start3A_9 : memref<64x128xf32, #tpu.memory_space<vmem>>) offsets(%dma_start3A_12 : memref<64xi32, #tpu.memory_space<vmem>>) semaphore(%arg8 : memref<!tpu.dma_semaphore, #tpu.memory_space<semaphore_mem>>)
    %dma_wait3A = arith.constant 0 : i32
    %dma_wait3A_16 = arith.constant 0 : i32
    %dma_wait3A_17 = arith.constant 0 : i32
    %dma_wait3A_18 = arith.constant 0 : i32
    %dma_wait3A_19 = tpu.memref_slice %arg6[%dma_wait3A_16, %dma_wait3A_17, %dma_wait3A_18] : memref<2x64x128xf32, #tpu.memory_space<vmem>> -> memref<1x64x128xf32, #tpu.memory_space<vmem>>
    %dma_wait3A_20 = tpu.memref_squeeze %dma_wait3A_19 : memref<1x64x128xf32, #tpu.memory_space<vmem>> -> memref<64x128xf32, #tpu.memory_space<vmem>>
    %dma_wait3A_21 = arith.constant 0 : i32
    %dma_wait3A_22 = tpu.memref_slice %arg5[%dma_wait3A, %dma_wait3A_21] : memref<8x64xi32, #tpu.memory_space<vmem>> -> memref<1x64xi32, #tpu.memory_space<vmem>>
    %dma_wait3A_23 = tpu.memref_squeeze %dma_wait3A_22 : memref<1x64xi32, #tpu.memory_space<vmem>> -> memref<64xi32, #tpu.memory_space<vmem>>
    %dma_wait3A_24 = arith.constant 0 : i32
    %dma_wait3A_25 = arith.constant 0 : i32
    %dma_wait3A_26 = tpu.memref_slice %arg7[%dma_wait3A_24, %dma_wait3A_25] : memref<26x128xf32, #tpu.memory_space<vmem_shared>> -> memref<26x128xf32, #tpu.memory_space<vmem_shared>>
    tpu.wait_indirect_dma semaphore(%arg8 : memref<!tpu.dma_semaphore, #tpu.memory_space<semaphore_mem>>) src(%dma_wait3A_26 : memref<26x128xf32, #tpu.memory_space<vmem_shared>>) dst(%dma_wait3A_20 : memref<64x128xf32, #tpu.memory_space<vmem>>)
    %add3A_27 = arith.constant 0 : i32
    %add3A_28 = arith.addi %mul3A_2, %add3A_27 : i32
    %dma_start3A_29 = arith.constant 0 : i32
    %dma_start3A_30 = arith.constant 0 : i32
    %dma_start3A_31 = arith.constant 0 : i32
    %dma_start3A_32 = tpu.memref_slice %arg6[%dma_start3A_29, %dma_start3A_30, %dma_start3A_31] : memref<2x64x128xf32, #tpu.memory_space<vmem>> -> memref<1x64x128xf32, #tpu.memory_space<vmem>>
    %dma_start3A_33 = tpu.memref_squeeze %dma_start3A_32 : memref<1x64x128xf32, #tpu.memory_space<vmem>> -> memref<64x128xf32, #tpu.memory_space<vmem>>
    %dma_start3A_34 = arith.constant 0 : i32
    %dma_start3A_35 = tpu.memref_slice %arg4[%add3A_28, %dma_start3A_34] : memref<16384x128xf32, #tpu.memory_space<hbm>> -> memref<64x128xf32, #tpu.memory_space<hbm>>
    %dma_start3A_36 = arith.constant 0 : i32
    %dma_start3A_37 = tpu.memref_slice %arg4[%add3A_28, %dma_start3A_36] : memref<16384x128xf32, #tpu.memory_space<hbm>> -> memref<64x128xf32, #tpu.memory_space<hbm>>
    %dma_start3A_38 = arith.constant 0 : i32
    %dma_start3A_39 = arith.constant 0 : i32
    %dma_start3A_40 = tpu.memref_slice %arg6[%dma_start3A_29, %dma_start3A_38, %dma_start3A_39] : memref<2x64x128xf32, #tpu.memory_space<vmem>> -> memref<1x64x128xf32, #tpu.memory_space<vmem>>
    %dma_start3A_41 = tpu.memref_squeeze %dma_start3A_40 : memref<1x64x128xf32, #tpu.memory_space<vmem>> -> memref<64x128xf32, #tpu.memory_space<vmem>>
    tpu.enqueue_dma source(%dma_start3A_41 : memref<64x128xf32, #tpu.memory_space<vmem>>) target(%dma_start3A_37 : memref<64x128xf32, #tpu.memory_space<hbm>>) target_semaphore(%arg9 : memref<!tpu.dma_semaphore, #tpu.memory_space<semaphore_mem>>)
    %dma_start3A_42 = arith.constant 1 : i32
    %dma_start3A_43 = arith.constant 1 : i32
    %dma_start3A_44 = arith.constant 0 : i32
    %dma_start3A_45 = arith.constant 0 : i32
    %dma_start3A_46 = tpu.memref_slice %arg6[%dma_start3A_43, %dma_start3A_44, %dma_start3A_45] : memref<2x64x128xf32, #tpu.memory_space<vmem>> -> memref<1x64x128xf32, #tpu.memory_space<vmem>>
    %dma_start3A_47 = tpu.memref_squeeze %dma_start3A_46 : memref<1x64x128xf32, #tpu.memory_space<vmem>> -> memref<64x128xf32, #tpu.memory_space<vmem>>
    %dma_start3A_48 = arith.constant 0 : i32
    %dma_start3A_49 = tpu.memref_slice %arg5[%dma_start3A_42, %dma_start3A_48] : memref<8x64xi32, #tpu.memory_space<vmem>> -> memref<1x64xi32, #tpu.memory_space<vmem>>
    %dma_start3A_50 = tpu.memref_squeeze %dma_start3A_49 : memref<1x64xi32, #tpu.memory_space<vmem>> -> memref<64xi32, #tpu.memory_space<vmem>>
    %dma_start3A_51 = arith.constant 0 : i32
    %dma_start3A_52 = arith.constant 0 : i32
    %dma_start3A_53 = tpu.memref_slice %arg7[%dma_start3A_51, %dma_start3A_52] : memref<26x128xf32, #tpu.memory_space<vmem_shared>> -> memref<26x128xf32, #tpu.memory_space<vmem_shared>>
    tpu.enqueue_indirect_dma source(%dma_start3A_53 : memref<26x128xf32, #tpu.memory_space<vmem_shared>>) target(%dma_start3A_47 : memref<64x128xf32, #tpu.memory_space<vmem>>) offsets(%dma_start3A_50 : memref<64xi32, #tpu.memory_space<vmem>>) semaphore(%arg8 : memref<!tpu.dma_semaphore, #tpu.memory_space<semaphore_mem>>)
    %dma_wait3A_54 = arith.constant 1 : i32
    %dma_wait3A_55 = arith.constant 1 : i32
    %dma_wait3A_56 = arith.constant 0 : i32
    %dma_wait3A_57 = arith.constant 0 : i32
    %dma_wait3A_58 = tpu.memref_slice %arg6[%dma_wait3A_55, %dma_wait3A_56, %dma_wait3A_57] : memref<2x64x128xf32, #tpu.memory_space<vmem>> -> memref<1x64x128xf32, #tpu.memory_space<vmem>>
    %dma_wait3A_59 = tpu.memref_squeeze %dma_wait3A_58 : memref<1x64x128xf32, #tpu.memory_space<vmem>> -> memref<64x128xf32, #tpu.memory_space<vmem>>
    %dma_wait3A_60 = arith.constant 0 : i32
    %dma_wait3A_61 = tpu.memref_slice %arg5[%dma_wait3A_54, %dma_wait3A_60] : memref<8x64xi32, #tpu.memory_space<vmem>> -> memref<1x64xi32, #tpu.memory_space<vmem>>
    %dma_wait3A_62 = tpu.memref_squeeze %dma_wait3A_61 : memref<1x64xi32, #tpu.memory_space<vmem>> -> memref<64xi32, #tpu.memory_space<vmem>>
    %dma_wait3A_63 = arith.constant 0 : i32
    %dma_wait3A_64 = arith.constant 0 : i32
    %dma_wait3A_65 = tpu.memref_slice %arg7[%dma_wait3A_63, %dma_wait3A_64] : memref<26x128xf32, #tpu.memory_space<vmem_shared>> -> memref<26x128xf32, #tpu.memory_space<vmem_shared>>
    tpu.wait_indirect_dma semaphore(%arg8 : memref<!tpu.dma_semaphore, #tpu.memory_space<semaphore_mem>>) src(%dma_wait3A_65 : memref<26x128xf32, #tpu.memory_space<vmem_shared>>) dst(%dma_wait3A_59 : memref<64x128xf32, #tpu.memory_space<vmem>>)
    %add3A_66 = arith.constant 64 : i32
    %add3A_67 = arith.addi %mul3A_2, %add3A_66 : i32
    %dma_start3A_68 = arith.constant 1 : i32
    %dma_start3A_69 = arith.constant 0 : i32
    %dma_start3A_70 = arith.constant 0 : i32
    %dma_start3A_71 = tpu.memref_slice %arg6[%dma_start3A_68, %dma_start3A_69, %dma_start3A_70] : memref<2x64x128xf32, #tpu.memory_space<vmem>> -> memref<1x64x128xf32, #tpu.memory_space<vmem>>
    %dma_start3A_72 = tpu.memref_squeeze %dma_start3A_71 : memref<1x64x128xf32, #tpu.memory_space<vmem>> -> memref<64x128xf32, #tpu.memory_space<vmem>>
    %dma_start3A_73 = arith.constant 0 : i32
    %dma_start3A_74 = tpu.memref_slice %arg4[%add3A_67, %dma_start3A_73] : memref<16384x128xf32, #tpu.memory_space<hbm>> -> memref<64x128xf32, #tpu.memory_space<hbm>>
    %dma_start3A_75 = arith.constant 0 : i32
    %dma_start3A_76 = tpu.memref_slice %arg4[%add3A_67, %dma_start3A_75] : memref<16384x128xf32, #tpu.memory_space<hbm>> -> memref<64x128xf32, #tpu.memory_space<hbm>>
    %dma_start3A_77 = arith.constant 0 : i32
    %dma_start3A_78 = arith.constant 0 : i32
    %dma_start3A_79 = tpu.memref_slice %arg6[%dma_start3A_68, %dma_start3A_77, %dma_start3A_78] : memref<2x64x128xf32, #tpu.memory_space<vmem>> -> memref<1x64x128xf32, #tpu.memory_space<vmem>>
    %dma_start3A_80 = tpu.memref_squeeze %dma_start3A_79 : memref<1x64x128xf32, #tpu.memory_space<vmem>> -> memref<64x128xf32, #tpu.memory_space<vmem>>
    tpu.enqueue_dma source(%dma_start3A_80 : memref<64x128xf32, #tpu.memory_space<vmem>>) target(%dma_start3A_76 : memref<64x128xf32, #tpu.memory_space<hbm>>) target_semaphore(%arg10 : memref<!tpu.dma_semaphore, #tpu.memory_space<semaphore_mem>>)
    %dma_wait3A_81 = arith.constant 0 : i32
    %dma_wait3A_82 = arith.constant 0 : i32
    %dma_wait3A_83 = arith.constant 0 : i32
    %dma_wait3A_84 = tpu.memref_slice %arg6[%dma_wait3A_81, %dma_wait3A_82, %dma_wait3A_83] : memref<2x64x128xf32, #tpu.memory_space<vmem>> -> memref<1x64x128xf32, #tpu.memory_space<vmem>>
    %dma_wait3A_85 = tpu.memref_squeeze %dma_wait3A_84 : memref<1x64x128xf32, #tpu.memory_space<vmem>> -> memref<64x128xf32, #tpu.memory_space<vmem>>
    %dma_wait3A_86 = arith.constant 0 : i32
    %dma_wait3A_87 = tpu.memref_slice %arg4[%add3A_28, %dma_wait3A_86] : memref<16384x128xf32, #tpu.memory_space<hbm>> -> memref<64x128xf32, #tpu.memory_space<hbm>>
    %dma_wait3A_88 = arith.constant 0 : i32
    %dma_wait3A_89 = tpu.memref_slice %arg4[%add3A_28, %dma_wait3A_88] : memref<16384x128xf32, #tpu.memory_space<hbm>> -> memref<64x128xf32, #tpu.memory_space<hbm>>
    %dma_wait3A_90 = arith.constant 0 : i32
    %dma_wait3A_91 = arith.constant 0 : i32
    %dma_wait3A_92 = tpu.memref_slice %arg6[%dma_wait3A_81, %dma_wait3A_90, %dma_wait3A_91] : memref<2x64x128xf32, #tpu.memory_space<vmem>> -> memref<1x64x128xf32, #tpu.memory_space<vmem>>
    %dma_wait3A_93 = tpu.memref_squeeze %dma_wait3A_92 : memref<1x64x128xf32, #tpu.memory_space<vmem>> -> memref<64x128xf32, #tpu.memory_space<vmem>>
    tpu.wait_dma2 semaphore(%arg9 : memref<!tpu.dma_semaphore, #tpu.memory_space<semaphore_mem>>) src(%dma_wait3A_93 : memref<64x128xf32, #tpu.memory_space<vmem>>) dst(%dma_wait3A_89 : memref<64x128xf32, #tpu.memory_space<hbm>>)
    %dma_start3A_94 = arith.constant 2 : i32
    %dma_start3A_95 = arith.constant 0 : i32
    %dma_start3A_96 = arith.constant 0 : i32
    %dma_start3A_97 = arith.constant 0 : i32
    %dma_start3A_98 = tpu.memref_slice %arg6[%dma_start3A_95, %dma_start3A_96, %dma_start3A_97] : memref<2x64x128xf32, #tpu.memory_space<vmem>> -> memref<1x64x128xf32, #tpu.memory_space<vmem>>
    %dma_start3A_99 = tpu.memref_squeeze %dma_start3A_98 : memref<1x64x128xf32, #tpu.memory_space<vmem>> -> memref<64x128xf32, #tpu.memory_space<vmem>>
    %dma_start3A_100 = arith.constant 0 : i32
    %dma_start3A_101 = tpu.memref_slice %arg5[%dma_start3A_94, %dma_start3A_100] : memref<8x64xi32, #tpu.memory_space<vmem>> -> memref<1x64xi32, #tpu.memory_space<vmem>>
    %dma_start3A_102 = tpu.memref_squeeze %dma_start3A_101 : memref<1x64xi32, #tpu.memory_space<vmem>> -> memref<64xi32, #tpu.memory_space<vmem>>
    %dma_start3A_103 = arith.constant 0 : i32
    %dma_start3A_104 = arith.constant 0 : i32
    %dma_start3A_105 = tpu.memref_slice %arg7[%dma_start3A_103, %dma_start3A_104] : memref<26x128xf32, #tpu.memory_space<vmem_shared>> -> memref<26x128xf32, #tpu.memory_space<vmem_shared>>
    tpu.enqueue_indirect_dma source(%dma_start3A_105 : memref<26x128xf32, #tpu.memory_space<vmem_shared>>) target(%dma_start3A_99 : memref<64x128xf32, #tpu.memory_space<vmem>>) offsets(%dma_start3A_102 : memref<64xi32, #tpu.memory_space<vmem>>) semaphore(%arg8 : memref<!tpu.dma_semaphore, #tpu.memory_space<semaphore_mem>>)
    %dma_wait3A_106 = arith.constant 2 : i32
    %dma_wait3A_107 = arith.constant 0 : i32
    %dma_wait3A_108 = arith.constant 0 : i32
    %dma_wait3A_109 = arith.constant 0 : i32
    %dma_wait3A_110 = tpu.memref_slice %arg6[%dma_wait3A_107, %dma_wait3A_108, %dma_wait3A_109] : memref<2x64x128xf32, #tpu.memory_space<vmem>> -> memref<1x64x128xf32, #tpu.memory_space<vmem>>
    %dma_wait3A_111 = tpu.memref_squeeze %dma_wait3A_110 : memref<1x64x128xf32, #tpu.memory_space<vmem>> -> memref<64x128xf32, #tpu.memory_space<vmem>>
    %dma_wait3A_112 = arith.constant 0 : i32
    %dma_wait3A_113 = tpu.memref_slice %arg5[%dma_wait3A_106, %dma_wait3A_112] : memref<8x64xi32, #tpu.memory_space<vmem>> -> memref<1x64xi32, #tpu.memory_space<vmem>>
    %dma_wait3A_114 = tpu.memref_squeeze %dma_wait3A_113 : memref<1x64xi32, #tpu.memory_space<vmem>> -> memref<64xi32, #tpu.memory_space<vmem>>
    %dma_wait3A_115 = arith.constant 0 : i32
    %dma_wait3A_116 = arith.constant 0 : i32
    %dma_wait3A_117 = tpu.memref_slice %arg7[%dma_wait3A_115, %dma_wait3A_116] : memref<26x128xf32, #tpu.memory_space<vmem_shared>> -> memref<26x128xf32, #tpu.memory_space<vmem_shared>>
    tpu.wait_indirect_dma semaphore(%arg8 : memref<!tpu.dma_semaphore, #tpu.memory_space<semaphore_mem>>) src(%dma_wait3A_117 : memref<26x128xf32, #tpu.memory_space<vmem_shared>>) dst(%dma_wait3A_111 : memref<64x128xf32, #tpu.memory_space<vmem>>)
    %add3A_118 = arith.constant 128 : i32
    %add3A_119 = arith.addi %mul3A_2, %add3A_118 : i32
    %dma_start3A_120 = arith.constant 0 : i32
    %dma_start3A_121 = arith.constant 0 : i32
    %dma_start3A_122 = arith.constant 0 : i32
    %dma_start3A_123 = tpu.memref_slice %arg6[%dma_start3A_120, %dma_start3A_121, %dma_start3A_122] : memref<2x64x128xf32, #tpu.memory_space<vmem>> -> memref<1x64x128xf32, #tpu.memory_space<vmem>>
    %dma_start3A_124 = tpu.memref_squeeze %dma_start3A_123 : memref<1x64x128xf32, #tpu.memory_space<vmem>> -> memref<64x128xf32, #tpu.memory_space<vmem>>
    %dma_start3A_125 = arith.constant 0 : i32
    %dma_start3A_126 = tpu.memref_slice %arg4[%add3A_119, %dma_start3A_125] : memref<16384x128xf32, #tpu.memory_space<hbm>> -> memref<64x128xf32, #tpu.memory_space<hbm>>
    %dma_start3A_127 = arith.constant 0 : i32
    %dma_start3A_128 = tpu.memref_slice %arg4[%add3A_119, %dma_start3A_127] : memref<16384x128xf32, #tpu.memory_space<hbm>> -> memref<64x128xf32, #tpu.memory_space<hbm>>
    %dma_start3A_129 = arith.constant 0 : i32
    %dma_start3A_130 = arith.constant 0 : i32
    %dma_start3A_131 = tpu.memref_slice %arg6[%dma_start3A_120, %dma_start3A_129, %dma_start3A_130] : memref<2x64x128xf32, #tpu.memory_space<vmem>> -> memref<1x64x128xf32, #tpu.memory_space<vmem>>
    %dma_start3A_132 = tpu.memref_squeeze %dma_start3A_131 : memref<1x64x128xf32, #tpu.memory_space<vmem>> -> memref<64x128xf32, #tpu.memory_space<vmem>>
    tpu.enqueue_dma source(%dma_start3A_132 : memref<64x128xf32, #tpu.memory_space<vmem>>) target(%dma_start3A_128 : memref<64x128xf32, #tpu.memory_space<hbm>>) target_semaphore(%arg9 : memref<!tpu.dma_semaphore, #tpu.memory_space<semaphore_mem>>)
    %dma_wait3A_133 = arith.constant 1 : i32
    %dma_wait3A_134 = arith.constant 0 : i32
    %dma_wait3A_135 = arith.constant 0 : i32
    %dma_wait3A_136 = tpu.memref_slice %arg6[%dma_wait3A_133, %dma_wait3A_134, %dma_wait3A_135] : memref<2x64x128xf32, #tpu.memory_space<vmem>> -> memref<1x64x128xf32, #tpu.memory_space<vmem>>
    %dma_wait3A_137 = tpu.memref_squeeze %dma_wait3A_136 : memref<1x64x128xf32, #tpu.memory_space<vmem>> -> memref<64x128xf32, #tpu.memory_space<vmem>>
    %dma_wait3A_138 = arith.constant 0 : i32
    %dma_wait3A_139 = tpu.memref_slice %arg4[%add3A_67, %dma_wait3A_138] : memref<16384x128xf32, #tpu.memory_space<hbm>> -> memref<64x128xf32, #tpu.memory_space<hbm>>
    %dma_wait3A_140 = arith.constant 0 : i32
    %dma_wait3A_141 = tpu.memref_slice %arg4[%add3A_67, %dma_wait3A_140] : memref<16384x128xf32, #tpu.memory_space<hbm>> -> memref<64x128xf32, #tpu.memory_space<hbm>>
    %dma_wait3A_142 = arith.constant 0 : i32
    %dma_wait3A_143 = arith.constant 0 : i32
    %dma_wait3A_144 = tpu.memref_slice %arg6[%dma_wait3A_133, %dma_wait3A_142, %dma_wait3A_143] : memref<2x64x128xf32, #tpu.memory_space<vmem>> -> memref<1x64x128xf32, #tpu.memory_space<vmem>>
    %dma_wait3A_145 = tpu.memref_squeeze %dma_wait3A_144 : memref<1x64x128xf32, #tpu.memory_space<vmem>> -> memref<64x128xf32, #tpu.memory_space<vmem>>
    tpu.wait_dma2 semaphore(%arg10 : memref<!tpu.dma_semaphore, #tpu.memory_space<semaphore_mem>>) src(%dma_wait3A_145 : memref<64x128xf32, #tpu.memory_space<vmem>>) dst(%dma_wait3A_141 : memref<64x128xf32, #tpu.memory_space<hbm>>)
    %dma_start3A_146 = arith.constant 3 : i32
    %dma_start3A_147 = arith.constant 1 : i32
    %dma_start3A_148 = arith.constant 0 : i32
    %dma_start3A_149 = arith.constant 0 : i32
    %dma_start3A_150 = tpu.memref_slice %arg6[%dma_start3A_147, %dma_start3A_148, %dma_start3A_149] : memref<2x64x128xf32, #tpu.memory_space<vmem>> -> memref<1x64x128xf32, #tpu.memory_space<vmem>>
    %dma_start3A_151 = tpu.memref_squeeze %dma_start3A_150 : memref<1x64x128xf32, #tpu.memory_space<vmem>> -> memref<64x128xf32, #tpu.memory_space<vmem>>
    %dma_start3A_152 = arith.constant 0 : i32
    %dma_start3A_153 = tpu.memref_slice %arg5[%dma_start3A_146, %dma_start3A_152] : memref<8x64xi32, #tpu.memory_space<vmem>> -> memref<1x64xi32, #tpu.memory_space<vmem>>
    %dma_start3A_154 = tpu.memref_squeeze %dma_start3A_153 : memref<1x64xi32, #tpu.memory_space<vmem>> -> memref<64xi32, #tpu.memory_space<vmem>>
    %dma_start3A_155 = arith.constant 0 : i32
    %dma_start3A_156 = arith.constant 0 : i32
    %dma_start3A_157 = tpu.memref_slice %arg7[%dma_start3A_155, %dma_start3A_156] : memref<26x128xf32, #tpu.memory_space<vmem_shared>> -> memref<26x128xf32, #tpu.memory_space<vmem_shared>>
    tpu.enqueue_indirect_dma source(%dma_start3A_157 : memref<26x128xf32, #tpu.memory_space<vmem_shared>>) target(%dma_start3A_151 : memref<64x128xf32, #tpu.memory_space<vmem>>) offsets(%dma_start3A_154 : memref<64xi32, #tpu.memory_space<vmem>>) semaphore(%arg8 : memref<!tpu.dma_semaphore, #tpu.memory_space<semaphore_mem>>)
    %dma_wait3A_158 = arith.constant 3 : i32
    %dma_wait3A_159 = arith.constant 1 : i32
    %dma_wait3A_160 = arith.constant 0 : i32
    %dma_wait3A_161 = arith.constant 0 : i32
    %dma_wait3A_162 = tpu.memref_slice %arg6[%dma_wait3A_159, %dma_wait3A_160, %dma_wait3A_161] : memref<2x64x128xf32, #tpu.memory_space<vmem>> -> memref<1x64x128xf32, #tpu.memory_space<vmem>>
    %dma_wait3A_163 = tpu.memref_squeeze %dma_wait3A_162 : memref<1x64x128xf32, #tpu.memory_space<vmem>> -> memref<64x128xf32, #tpu.memory_space<vmem>>
    %dma_wait3A_164 = arith.constant 0 : i32
    %dma_wait3A_165 = tpu.memref_slice %arg5[%dma_wait3A_158, %dma_wait3A_164] : memref<8x64xi32, #tpu.memory_space<vmem>> -> memref<1x64xi32, #tpu.memory_space<vmem>>
    %dma_wait3A_166 = tpu.memref_squeeze %dma_wait3A_165 : memref<1x64xi32, #tpu.memory_space<vmem>> -> memref<64xi32, #tpu.memory_space<vmem>>
    %dma_wait3A_167 = arith.constant 0 : i32
    %dma_wait3A_168 = arith.constant 0 : i32
    %dma_wait3A_169 = tpu.memref_slice %arg7[%dma_wait3A_167, %dma_wait3A_168] : memref<26x128xf32, #tpu.memory_space<vmem_shared>> -> memref<26x128xf32, #tpu.memory_space<vmem_shared>>
    tpu.wait_indirect_dma semaphore(%arg8 : memref<!tpu.dma_semaphore, #tpu.memory_space<semaphore_mem>>) src(%dma_wait3A_169 : memref<26x128xf32, #tpu.memory_space<vmem_shared>>) dst(%dma_wait3A_163 : memref<64x128xf32, #tpu.memory_space<vmem>>)
    %add3A_170 = arith.constant 192 : i32
    %add3A_171 = arith.addi %mul3A_2, %add3A_170 : i32
    %dma_start3A_172 = arith.constant 1 : i32
    %dma_start3A_173 = arith.constant 0 : i32
    %dma_start3A_174 = arith.constant 0 : i32
    %dma_start3A_175 = tpu.memref_slice %arg6[%dma_start3A_172, %dma_start3A_173, %dma_start3A_174] : memref<2x64x128xf32, #tpu.memory_space<vmem>> -> memref<1x64x128xf32, #tpu.memory_space<vmem>>
    %dma_start3A_176 = tpu.memref_squeeze %dma_start3A_175 : memref<1x64x128xf32, #tpu.memory_space<vmem>> -> memref<64x128xf32, #tpu.memory_space<vmem>>
    %dma_start3A_177 = arith.constant 0 : i32
    %dma_start3A_178 = tpu.memref_slice %arg4[%add3A_171, %dma_start3A_177] : memref<16384x128xf32, #tpu.memory_space<hbm>> -> memref<64x128xf32, #tpu.memory_space<hbm>>
    %dma_start3A_179 = arith.constant 0 : i32
    %dma_start3A_180 = tpu.memref_slice %arg4[%add3A_171, %dma_start3A_179] : memref<16384x128xf32, #tpu.memory_space<hbm>> -> memref<64x128xf32, #tpu.memory_space<hbm>>
    %dma_start3A_181 = arith.constant 0 : i32
    %dma_start3A_182 = arith.constant 0 : i32
    %dma_start3A_183 = tpu.memref_slice %arg6[%dma_start3A_172, %dma_start3A_181, %dma_start3A_182] : memref<2x64x128xf32, #tpu.memory_space<vmem>> -> memref<1x64x128xf32, #tpu.memory_space<vmem>>
    %dma_start3A_184 = tpu.memref_squeeze %dma_start3A_183 : memref<1x64x128xf32, #tpu.memory_space<vmem>> -> memref<64x128xf32, #tpu.memory_space<vmem>>
    tpu.enqueue_dma source(%dma_start3A_184 : memref<64x128xf32, #tpu.memory_space<vmem>>) target(%dma_start3A_180 : memref<64x128xf32, #tpu.memory_space<hbm>>) target_semaphore(%arg10 : memref<!tpu.dma_semaphore, #tpu.memory_space<semaphore_mem>>)
    %dma_wait3A_185 = arith.constant 0 : i32
    %dma_wait3A_186 = arith.constant 0 : i32
    %dma_wait3A_187 = arith.constant 0 : i32
    %dma_wait3A_188 = tpu.memref_slice %arg6[%dma_wait3A_185, %dma_wait3A_186, %dma_wait3A_187] : memref<2x64x128xf32, #tpu.memory_space<vmem>> -> memref<1x64x128xf32, #tpu.memory_space<vmem>>
    %dma_wait3A_189 = tpu.memref_squeeze %dma_wait3A_188 : memref<1x64x128xf32, #tpu.memory_space<vmem>> -> memref<64x128xf32, #tpu.memory_space<vmem>>
    %dma_wait3A_190 = arith.constant 0 : i32
    %dma_wait3A_191 = tpu.memref_slice %arg4[%add3A_119, %dma_wait3A_190] : memref<16384x128xf32, #tpu.memory_space<hbm>> -> memref<64x128xf32, #tpu.memory_space<hbm>>
    %dma_wait3A_192 = arith.constant 0 : i32
    %dma_wait3A_193 = tpu.memref_slice %arg4[%add3A_119, %dma_wait3A_192] : memref<16384x128xf32, #tpu.memory_space<hbm>> -> memref<64x128xf32, #tpu.memory_space<hbm>>
    %dma_wait3A_194 = arith.constant 0 : i32
    %dma_wait3A_195 = arith.constant 0 : i32
    %dma_wait3A_196 = tpu.memref_slice %arg6[%dma_wait3A_185, %dma_wait3A_194, %dma_wait3A_195] : memref<2x64x128xf32, #tpu.memory_space<vmem>> -> memref<1x64x128xf32, #tpu.memory_space<vmem>>
    %dma_wait3A_197 = tpu.memref_squeeze %dma_wait3A_196 : memref<1x64x128xf32, #tpu.memory_space<vmem>> -> memref<64x128xf32, #tpu.memory_space<vmem>>
    tpu.wait_dma2 semaphore(%arg9 : memref<!tpu.dma_semaphore, #tpu.memory_space<semaphore_mem>>) src(%dma_wait3A_197 : memref<64x128xf32, #tpu.memory_space<vmem>>) dst(%dma_wait3A_193 : memref<64x128xf32, #tpu.memory_space<hbm>>)
    %dma_start3A_198 = arith.constant 4 : i32
    %dma_start3A_199 = arith.constant 0 : i32
    %dma_start3A_200 = arith.constant 0 : i32
    %dma_start3A_201 = arith.constant 0 : i32
    %dma_start3A_202 = tpu.memref_slice %arg6[%dma_start3A_199, %dma_start3A_200, %dma_start3A_201] : memref<2x64x128xf32, #tpu.memory_space<vmem>> -> memref<1x64x128xf32, #tpu.memory_space<vmem>>
    %dma_start3A_203 = tpu.memref_squeeze %dma_start3A_202 : memref<1x64x128xf32, #tpu.memory_space<vmem>> -> memref<64x128xf32, #tpu.memory_space<vmem>>
    %dma_start3A_204 = arith.constant 0 : i32
    %dma_start3A_205 = tpu.memref_slice %arg5[%dma_start3A_198, %dma_start3A_204] : memref<8x64xi32, #tpu.memory_space<vmem>> -> memref<1x64xi32, #tpu.memory_space<vmem>>
    %dma_start3A_206 = tpu.memref_squeeze %dma_start3A_205 : memref<1x64xi32, #tpu.memory_space<vmem>> -> memref<64xi32, #tpu.memory_space<vmem>>
    %dma_start3A_207 = arith.constant 0 : i32
    %dma_start3A_208 = arith.constant 0 : i32
    %dma_start3A_209 = tpu.memref_slice %arg7[%dma_start3A_207, %dma_start3A_208] : memref<26x128xf32, #tpu.memory_space<vmem_shared>> -> memref<26x128xf32, #tpu.memory_space<vmem_shared>>
    tpu.enqueue_indirect_dma source(%dma_start3A_209 : memref<26x128xf32, #tpu.memory_space<vmem_shared>>) target(%dma_start3A_203 : memref<64x128xf32, #tpu.memory_space<vmem>>) offsets(%dma_start3A_206 : memref<64xi32, #tpu.memory_space<vmem>>) semaphore(%arg8 : memref<!tpu.dma_semaphore, #tpu.memory_space<semaphore_mem>>)
    %dma_wait3A_210 = arith.constant 4 : i32
    %dma_wait3A_211 = arith.constant 0 : i32
    %dma_wait3A_212 = arith.constant 0 : i32
    %dma_wait3A_213 = arith.constant 0 : i32
    %dma_wait3A_214 = tpu.memref_slice %arg6[%dma_wait3A_211, %dma_wait3A_212, %dma_wait3A_213] : memref<2x64x128xf32, #tpu.memory_space<vmem>> -> memref<1x64x128xf32, #tpu.memory_space<vmem>>
    %dma_wait3A_215 = tpu.memref_squeeze %dma_wait3A_214 : memref<1x64x128xf32, #tpu.memory_space<vmem>> -> memref<64x128xf32, #tpu.memory_space<vmem>>
    %dma_wait3A_216 = arith.constant 0 : i32
    %dma_wait3A_217 = tpu.memref_slice %arg5[%dma_wait3A_210, %dma_wait3A_216] : memref<8x64xi32, #tpu.memory_space<vmem>> -> memref<1x64xi32, #tpu.memory_space<vmem>>
    %dma_wait3A_218 = tpu.memref_squeeze %dma_wait3A_217 : memref<1x64xi32, #tpu.memory_space<vmem>> -> memref<64xi32, #tpu.memory_space<vmem>>
    %dma_wait3A_219 = arith.constant 0 : i32
    %dma_wait3A_220 = arith.constant 0 : i32
    %dma_wait3A_221 = tpu.memref_slice %arg7[%dma_wait3A_219, %dma_wait3A_220] : memref<26x128xf32, #tpu.memory_space<vmem_shared>> -> memref<26x128xf32, #tpu.memory_space<vmem_shared>>
    tpu.wait_indirect_dma semaphore(%arg8 : memref<!tpu.dma_semaphore, #tpu.memory_space<semaphore_mem>>) src(%dma_wait3A_221 : memref<26x128xf32, #tpu.memory_space<vmem_shared>>) dst(%dma_wait3A_215 : memref<64x128xf32, #tpu.memory_space<vmem>>)
    %add3A_222 = arith.constant 256 : i32
    %add3A_223 = arith.addi %mul3A_2, %add3A_222 : i32
    %dma_start3A_224 = arith.constant 0 : i32
    %dma_start3A_225 = arith.constant 0 : i32
    %dma_start3A_226 = arith.constant 0 : i32
    %dma_start3A_227 = tpu.memref_slice %arg6[%dma_start3A_224, %dma_start3A_225, %dma_start3A_226] : memref<2x64x128xf32, #tpu.memory_space<vmem>> -> memref<1x64x128xf32, #tpu.memory_space<vmem>>
    %dma_start3A_228 = tpu.memref_squeeze %dma_start3A_227 : memref<1x64x128xf32, #tpu.memory_space<vmem>> -> memref<64x128xf32, #tpu.memory_space<vmem>>
    %dma_start3A_229 = arith.constant 0 : i32
    %dma_start3A_230 = tpu.memref_slice %arg4[%add3A_223, %dma_start3A_229] : memref<16384x128xf32, #tpu.memory_space<hbm>> -> memref<64x128xf32, #tpu.memory_space<hbm>>
    %dma_start3A_231 = arith.constant 0 : i32
    %dma_start3A_232 = tpu.memref_slice %arg4[%add3A_223, %dma_start3A_231] : memref<16384x128xf32, #tpu.memory_space<hbm>> -> memref<64x128xf32, #tpu.memory_space<hbm>>
    %dma_start3A_233 = arith.constant 0 : i32
    %dma_start3A_234 = arith.constant 0 : i32
    %dma_start3A_235 = tpu.memref_slice %arg6[%dma_start3A_224, %dma_start3A_233, %dma_start3A_234] : memref<2x64x128xf32, #tpu.memory_space<vmem>> -> memref<1x64x128xf32, #tpu.memory_space<vmem>>
    %dma_start3A_236 = tpu.memref_squeeze %dma_start3A_235 : memref<1x64x128xf32, #tpu.memory_space<vmem>> -> memref<64x128xf32, #tpu.memory_space<vmem>>
    tpu.enqueue_dma source(%dma_start3A_236 : memref<64x128xf32, #tpu.memory_space<vmem>>) target(%dma_start3A_232 : memref<64x128xf32, #tpu.memory_space<hbm>>) target_semaphore(%arg9 : memref<!tpu.dma_semaphore, #tpu.memory_space<semaphore_mem>>)
    %dma_wait3A_237 = arith.constant 1 : i32
    %dma_wait3A_238 = arith.constant 0 : i32
    %dma_wait3A_239 = arith.constant 0 : i32
    %dma_wait3A_240 = tpu.memref_slice %arg6[%dma_wait3A_237, %dma_wait3A_238, %dma_wait3A_239] : memref<2x64x128xf32, #tpu.memory_space<vmem>> -> memref<1x64x128xf32, #tpu.memory_space<vmem>>
    %dma_wait3A_241 = tpu.memref_squeeze %dma_wait3A_240 : memref<1x64x128xf32, #tpu.memory_space<vmem>> -> memref<64x128xf32, #tpu.memory_space<vmem>>
    %dma_wait3A_242 = arith.constant 0 : i32
    %dma_wait3A_243 = tpu.memref_slice %arg4[%add3A_171, %dma_wait3A_242] : memref<16384x128xf32, #tpu.memory_space<hbm>> -> memref<64x128xf32, #tpu.memory_space<hbm>>
    %dma_wait3A_244 = arith.constant 0 : i32
    %dma_wait3A_245 = tpu.memref_slice %arg4[%add3A_171, %dma_wait3A_244] : memref<16384x128xf32, #tpu.memory_space<hbm>> -> memref<64x128xf32, #tpu.memory_space<hbm>>
    %dma_wait3A_246 = arith.constant 0 : i32
    %dma_wait3A_247 = arith.constant 0 : i32
    %dma_wait3A_248 = tpu.memref_slice %arg6[%dma_wait3A_237, %dma_wait3A_246, %dma_wait3A_247] : memref<2x64x128xf32, #tpu.memory_space<vmem>> -> memref<1x64x128xf32, #tpu.memory_space<vmem>>
    %dma_wait3A_249 = tpu.memref_squeeze %dma_wait3A_248 : memref<1x64x128xf32, #tpu.memory_space<vmem>> -> memref<64x128xf32, #tpu.memory_space<vmem>>
    tpu.wait_dma2 semaphore(%arg10 : memref<!tpu.dma_semaphore, #tpu.memory_space<semaphore_mem>>) src(%dma_wait3A_249 : memref<64x128xf32, #tpu.memory_space<vmem>>) dst(%dma_wait3A_245 : memref<64x128xf32, #tpu.memory_space<hbm>>)
    %dma_start3A_250 = arith.constant 5 : i32
    %dma_start3A_251 = arith.constant 1 : i32
    %dma_start3A_252 = arith.constant 0 : i32
    %dma_start3A_253 = arith.constant 0 : i32
    %dma_start3A_254 = tpu.memref_slice %arg6[%dma_start3A_251, %dma_start3A_252, %dma_start3A_253] : memref<2x64x128xf32, #tpu.memory_space<vmem>> -> memref<1x64x128xf32, #tpu.memory_space<vmem>>
    %dma_start3A_255 = tpu.memref_squeeze %dma_start3A_254 : memref<1x64x128xf32, #tpu.memory_space<vmem>> -> memref<64x128xf32, #tpu.memory_space<vmem>>
    %dma_start3A_256 = arith.constant 0 : i32
    %dma_start3A_257 = tpu.memref_slice %arg5[%dma_start3A_250, %dma_start3A_256] : memref<8x64xi32, #tpu.memory_space<vmem>> -> memref<1x64xi32, #tpu.memory_space<vmem>>
    %dma_start3A_258 = tpu.memref_squeeze %dma_start3A_257 : memref<1x64xi32, #tpu.memory_space<vmem>> -> memref<64xi32, #tpu.memory_space<vmem>>
    %dma_start3A_259 = arith.constant 0 : i32
    %dma_start3A_260 = arith.constant 0 : i32
    %dma_start3A_261 = tpu.memref_slice %arg7[%dma_start3A_259, %dma_start3A_260] : memref<26x128xf32, #tpu.memory_space<vmem_shared>> -> memref<26x128xf32, #tpu.memory_space<vmem_shared>>
    tpu.enqueue_indirect_dma source(%dma_start3A_261 : memref<26x128xf32, #tpu.memory_space<vmem_shared>>) target(%dma_start3A_255 : memref<64x128xf32, #tpu.memory_space<vmem>>) offsets(%dma_start3A_258 : memref<64xi32, #tpu.memory_space<vmem>>) semaphore(%arg8 : memref<!tpu.dma_semaphore, #tpu.memory_space<semaphore_mem>>)
    %dma_wait3A_262 = arith.constant 5 : i32
    %dma_wait3A_263 = arith.constant 1 : i32
    %dma_wait3A_264 = arith.constant 0 : i32
    %dma_wait3A_265 = arith.constant 0 : i32
    %dma_wait3A_266 = tpu.memref_slice %arg6[%dma_wait3A_263, %dma_wait3A_264, %dma_wait3A_265] : memref<2x64x128xf32, #tpu.memory_space<vmem>> -> memref<1x64x128xf32, #tpu.memory_space<vmem>>
    %dma_wait3A_267 = tpu.memref_squeeze %dma_wait3A_266 : memref<1x64x128xf32, #tpu.memory_space<vmem>> -> memref<64x128xf32, #tpu.memory_space<vmem>>
    %dma_wait3A_268 = arith.constant 0 : i32
    %dma_wait3A_269 = tpu.memref_slice %arg5[%dma_wait3A_262, %dma_wait3A_268] : memref<8x64xi32, #tpu.memory_space<vmem>> -> memref<1x64xi32, #tpu.memory_space<vmem>>
    %dma_wait3A_270 = tpu.memref_squeeze %dma_wait3A_269 : memref<1x64xi32, #tpu.memory_space<vmem>> -> memref<64xi32, #tpu.memory_space<vmem>>
    %dma_wait3A_271 = arith.constant 0 : i32
    %dma_wait3A_272 = arith.constant 0 : i32
    %dma_wait3A_273 = tpu.memref_slice %arg7[%dma_wait3A_271, %dma_wait3A_272] : memref<26x128xf32, #tpu.memory_space<vmem_shared>> -> memref<26x128xf32, #tpu.memory_space<vmem_shared>>
    tpu.wait_indirect_dma semaphore(%arg8 : memref<!tpu.dma_semaphore, #tpu.memory_space<semaphore_mem>>) src(%dma_wait3A_273 : memref<26x128xf32, #tpu.memory_space<vmem_shared>>) dst(%dma_wait3A_267 : memref<64x128xf32, #tpu.memory_space<vmem>>)
    %add3A_274 = arith.constant 320 : i32
    %add3A_275 = arith.addi %mul3A_2, %add3A_274 : i32
    %dma_start3A_276 = arith.constant 1 : i32
    %dma_start3A_277 = arith.constant 0 : i32
    %dma_start3A_278 = arith.constant 0 : i32
    %dma_start3A_279 = tpu.memref_slice %arg6[%dma_start3A_276, %dma_start3A_277, %dma_start3A_278] : memref<2x64x128xf32, #tpu.memory_space<vmem>> -> memref<1x64x128xf32, #tpu.memory_space<vmem>>
    %dma_start3A_280 = tpu.memref_squeeze %dma_start3A_279 : memref<1x64x128xf32, #tpu.memory_space<vmem>> -> memref<64x128xf32, #tpu.memory_space<vmem>>
    %dma_start3A_281 = arith.constant 0 : i32
    %dma_start3A_282 = tpu.memref_slice %arg4[%add3A_275, %dma_start3A_281] : memref<16384x128xf32, #tpu.memory_space<hbm>> -> memref<64x128xf32, #tpu.memory_space<hbm>>
    %dma_start3A_283 = arith.constant 0 : i32
    %dma_start3A_284 = tpu.memref_slice %arg4[%add3A_275, %dma_start3A_283] : memref<16384x128xf32, #tpu.memory_space<hbm>> -> memref<64x128xf32, #tpu.memory_space<hbm>>
    %dma_start3A_285 = arith.constant 0 : i32
    %dma_start3A_286 = arith.constant 0 : i32
    %dma_start3A_287 = tpu.memref_slice %arg6[%dma_start3A_276, %dma_start3A_285, %dma_start3A_286] : memref<2x64x128xf32, #tpu.memory_space<vmem>> -> memref<1x64x128xf32, #tpu.memory_space<vmem>>
    %dma_start3A_288 = tpu.memref_squeeze %dma_start3A_287 : memref<1x64x128xf32, #tpu.memory_space<vmem>> -> memref<64x128xf32, #tpu.memory_space<vmem>>
    tpu.enqueue_dma source(%dma_start3A_288 : memref<64x128xf32, #tpu.memory_space<vmem>>) target(%dma_start3A_284 : memref<64x128xf32, #tpu.memory_space<hbm>>) target_semaphore(%arg10 : memref<!tpu.dma_semaphore, #tpu.memory_space<semaphore_mem>>)
    %dma_wait3A_289 = arith.constant 0 : i32
    %dma_wait3A_290 = arith.constant 0 : i32
    %dma_wait3A_291 = arith.constant 0 : i32
    %dma_wait3A_292 = tpu.memref_slice %arg6[%dma_wait3A_289, %dma_wait3A_290, %dma_wait3A_291] : memref<2x64x128xf32, #tpu.memory_space<vmem>> -> memref<1x64x128xf32, #tpu.memory_space<vmem>>
    %dma_wait3A_293 = tpu.memref_squeeze %dma_wait3A_292 : memref<1x64x128xf32, #tpu.memory_space<vmem>> -> memref<64x128xf32, #tpu.memory_space<vmem>>
    %dma_wait3A_294 = arith.constant 0 : i32
    %dma_wait3A_295 = tpu.memref_slice %arg4[%add3A_223, %dma_wait3A_294] : memref<16384x128xf32, #tpu.memory_space<hbm>> -> memref<64x128xf32, #tpu.memory_space<hbm>>
    %dma_wait3A_296 = arith.constant 0 : i32
    %dma_wait3A_297 = tpu.memref_slice %arg4[%add3A_223, %dma_wait3A_296] : memref<16384x128xf32, #tpu.memory_space<hbm>> -> memref<64x128xf32, #tpu.memory_space<hbm>>
    %dma_wait3A_298 = arith.constant 0 : i32
    %dma_wait3A_299 = arith.constant 0 : i32
    %dma_wait3A_300 = tpu.memref_slice %arg6[%dma_wait3A_289, %dma_wait3A_298, %dma_wait3A_299] : memref<2x64x128xf32, #tpu.memory_space<vmem>> -> memref<1x64x128xf32, #tpu.memory_space<vmem>>
    %dma_wait3A_301 = tpu.memref_squeeze %dma_wait3A_300 : memref<1x64x128xf32, #tpu.memory_space<vmem>> -> memref<64x128xf32, #tpu.memory_space<vmem>>
    tpu.wait_dma2 semaphore(%arg9 : memref<!tpu.dma_semaphore, #tpu.memory_space<semaphore_mem>>) src(%dma_wait3A_301 : memref<64x128xf32, #tpu.memory_space<vmem>>) dst(%dma_wait3A_297 : memref<64x128xf32, #tpu.memory_space<hbm>>)
    %dma_start3A_302 = arith.constant 6 : i32
    %dma_start3A_303 = arith.constant 0 : i32
    %dma_start3A_304 = arith.constant 0 : i32
    %dma_start3A_305 = arith.constant 0 : i32
    %dma_start3A_306 = tpu.memref_slice %arg6[%dma_start3A_303, %dma_start3A_304, %dma_start3A_305] : memref<2x64x128xf32, #tpu.memory_space<vmem>> -> memref<1x64x128xf32, #tpu.memory_space<vmem>>
    %dma_start3A_307 = tpu.memref_squeeze %dma_start3A_306 : memref<1x64x128xf32, #tpu.memory_space<vmem>> -> memref<64x128xf32, #tpu.memory_space<vmem>>
    %dma_start3A_308 = arith.constant 0 : i32
    %dma_start3A_309 = tpu.memref_slice %arg5[%dma_start3A_302, %dma_start3A_308] : memref<8x64xi32, #tpu.memory_space<vmem>> -> memref<1x64xi32, #tpu.memory_space<vmem>>
    %dma_start3A_310 = tpu.memref_squeeze %dma_start3A_309 : memref<1x64xi32, #tpu.memory_space<vmem>> -> memref<64xi32, #tpu.memory_space<vmem>>
    %dma_start3A_311 = arith.constant 0 : i32
    %dma_start3A_312 = arith.constant 0 : i32
    %dma_start3A_313 = tpu.memref_slice %arg7[%dma_start3A_311, %dma_start3A_312] : memref<26x128xf32, #tpu.memory_space<vmem_shared>> -> memref<26x128xf32, #tpu.memory_space<vmem_shared>>
    tpu.enqueue_indirect_dma source(%dma_start3A_313 : memref<26x128xf32, #tpu.memory_space<vmem_shared>>) target(%dma_start3A_307 : memref<64x128xf32, #tpu.memory_space<vmem>>) offsets(%dma_start3A_310 : memref<64xi32, #tpu.memory_space<vmem>>) semaphore(%arg8 : memref<!tpu.dma_semaphore, #tpu.memory_space<semaphore_mem>>)
    %dma_wait3A_314 = arith.constant 6 : i32
    %dma_wait3A_315 = arith.constant 0 : i32
    %dma_wait3A_316 = arith.constant 0 : i32
    %dma_wait3A_317 = arith.constant 0 : i32
    %dma_wait3A_318 = tpu.memref_slice %arg6[%dma_wait3A_315, %dma_wait3A_316, %dma_wait3A_317] : memref<2x64x128xf32, #tpu.memory_space<vmem>> -> memref<1x64x128xf32, #tpu.memory_space<vmem>>
    %dma_wait3A_319 = tpu.memref_squeeze %dma_wait3A_318 : memref<1x64x128xf32, #tpu.memory_space<vmem>> -> memref<64x128xf32, #tpu.memory_space<vmem>>
    %dma_wait3A_320 = arith.constant 0 : i32
    %dma_wait3A_321 = tpu.memref_slice %arg5[%dma_wait3A_314, %dma_wait3A_320] : memref<8x64xi32, #tpu.memory_space<vmem>> -> memref<1x64xi32, #tpu.memory_space<vmem>>
    %dma_wait3A_322 = tpu.memref_squeeze %dma_wait3A_321 : memref<1x64xi32, #tpu.memory_space<vmem>> -> memref<64xi32, #tpu.memory_space<vmem>>
    %dma_wait3A_323 = arith.constant 0 : i32
    %dma_wait3A_324 = arith.constant 0 : i32
    %dma_wait3A_325 = tpu.memref_slice %arg7[%dma_wait3A_323, %dma_wait3A_324] : memref<26x128xf32, #tpu.memory_space<vmem_shared>> -> memref<26x128xf32, #tpu.memory_space<vmem_shared>>
    tpu.wait_indirect_dma semaphore(%arg8 : memref<!tpu.dma_semaphore, #tpu.memory_space<semaphore_mem>>) src(%dma_wait3A_325 : memref<26x128xf32, #tpu.memory_space<vmem_shared>>) dst(%dma_wait3A_319 : memref<64x128xf32, #tpu.memory_space<vmem>>)
    %add3A_326 = arith.constant 384 : i32
    %add3A_327 = arith.addi %mul3A_2, %add3A_326 : i32
    %dma_start3A_328 = arith.constant 0 : i32
    %dma_start3A_329 = arith.constant 0 : i32
    %dma_start3A_330 = arith.constant 0 : i32
    %dma_start3A_331 = tpu.memref_slice %arg6[%dma_start3A_328, %dma_start3A_329, %dma_start3A_330] : memref<2x64x128xf32, #tpu.memory_space<vmem>> -> memref<1x64x128xf32, #tpu.memory_space<vmem>>
    %dma_start3A_332 = tpu.memref_squeeze %dma_start3A_331 : memref<1x64x128xf32, #tpu.memory_space<vmem>> -> memref<64x128xf32, #tpu.memory_space<vmem>>
    %dma_start3A_333 = arith.constant 0 : i32
    %dma_start3A_334 = tpu.memref_slice %arg4[%add3A_327, %dma_start3A_333] : memref<16384x128xf32, #tpu.memory_space<hbm>> -> memref<64x128xf32, #tpu.memory_space<hbm>>
    %dma_start3A_335 = arith.constant 0 : i32
    %dma_start3A_336 = tpu.memref_slice %arg4[%add3A_327, %dma_start3A_335] : memref<16384x128xf32, #tpu.memory_space<hbm>> -> memref<64x128xf32, #tpu.memory_space<hbm>>
    %dma_start3A_337 = arith.constant 0 : i32
    %dma_start3A_338 = arith.constant 0 : i32
    %dma_start3A_339 = tpu.memref_slice %arg6[%dma_start3A_328, %dma_start3A_337, %dma_start3A_338] : memref<2x64x128xf32, #tpu.memory_space<vmem>> -> memref<1x64x128xf32, #tpu.memory_space<vmem>>
    %dma_start3A_340 = tpu.memref_squeeze %dma_start3A_339 : memref<1x64x128xf32, #tpu.memory_space<vmem>> -> memref<64x128xf32, #tpu.memory_space<vmem>>
    tpu.enqueue_dma source(%dma_start3A_340 : memref<64x128xf32, #tpu.memory_space<vmem>>) target(%dma_start3A_336 : memref<64x128xf32, #tpu.memory_space<hbm>>) target_semaphore(%arg9 : memref<!tpu.dma_semaphore, #tpu.memory_space<semaphore_mem>>)
    %dma_wait3A_341 = arith.constant 1 : i32
    %dma_wait3A_342 = arith.constant 0 : i32
    %dma_wait3A_343 = arith.constant 0 : i32
    %dma_wait3A_344 = tpu.memref_slice %arg6[%dma_wait3A_341, %dma_wait3A_342, %dma_wait3A_343] : memref<2x64x128xf32, #tpu.memory_space<vmem>> -> memref<1x64x128xf32, #tpu.memory_space<vmem>>
    %dma_wait3A_345 = tpu.memref_squeeze %dma_wait3A_344 : memref<1x64x128xf32, #tpu.memory_space<vmem>> -> memref<64x128xf32, #tpu.memory_space<vmem>>
    %dma_wait3A_346 = arith.constant 0 : i32
    %dma_wait3A_347 = tpu.memref_slice %arg4[%add3A_275, %dma_wait3A_346] : memref<16384x128xf32, #tpu.memory_space<hbm>> -> memref<64x128xf32, #tpu.memory_space<hbm>>
    %dma_wait3A_348 = arith.constant 0 : i32
    %dma_wait3A_349 = tpu.memref_slice %arg4[%add3A_275, %dma_wait3A_348] : memref<16384x128xf32, #tpu.memory_space<hbm>> -> memref<64x128xf32, #tpu.memory_space<hbm>>
    %dma_wait3A_350 = arith.constant 0 : i32
    %dma_wait3A_351 = arith.constant 0 : i32
    %dma_wait3A_352 = tpu.memref_slice %arg6[%dma_wait3A_341, %dma_wait3A_350, %dma_wait3A_351] : memref<2x64x128xf32, #tpu.memory_space<vmem>> -> memref<1x64x128xf32, #tpu.memory_space<vmem>>
    %dma_wait3A_353 = tpu.memref_squeeze %dma_wait3A_352 : memref<1x64x128xf32, #tpu.memory_space<vmem>> -> memref<64x128xf32, #tpu.memory_space<vmem>>
    tpu.wait_dma2 semaphore(%arg10 : memref<!tpu.dma_semaphore, #tpu.memory_space<semaphore_mem>>) src(%dma_wait3A_353 : memref<64x128xf32, #tpu.memory_space<vmem>>) dst(%dma_wait3A_349 : memref<64x128xf32, #tpu.memory_space<hbm>>)
    %dma_start3A_354 = arith.constant 7 : i32
    %dma_start3A_355 = arith.constant 1 : i32
    %dma_start3A_356 = arith.constant 0 : i32
    %dma_start3A_357 = arith.constant 0 : i32
    %dma_start3A_358 = tpu.memref_slice %arg6[%dma_start3A_355, %dma_start3A_356, %dma_start3A_357] : memref<2x64x128xf32, #tpu.memory_space<vmem>> -> memref<1x64x128xf32, #tpu.memory_space<vmem>>
    %dma_start3A_359 = tpu.memref_squeeze %dma_start3A_358 : memref<1x64x128xf32, #tpu.memory_space<vmem>> -> memref<64x128xf32, #tpu.memory_space<vmem>>
    %dma_start3A_360 = arith.constant 0 : i32
    %dma_start3A_361 = tpu.memref_slice %arg5[%dma_start3A_354, %dma_start3A_360] : memref<8x64xi32, #tpu.memory_space<vmem>> -> memref<1x64xi32, #tpu.memory_space<vmem>>
    %dma_start3A_362 = tpu.memref_squeeze %dma_start3A_361 : memref<1x64xi32, #tpu.memory_space<vmem>> -> memref<64xi32, #tpu.memory_space<vmem>>
    %dma_start3A_363 = arith.constant 0 : i32
    %dma_start3A_364 = arith.constant 0 : i32
    %dma_start3A_365 = tpu.memref_slice %arg7[%dma_start3A_363, %dma_start3A_364] : memref<26x128xf32, #tpu.memory_space<vmem_shared>> -> memref<26x128xf32, #tpu.memory_space<vmem_shared>>
    tpu.enqueue_indirect_dma source(%dma_start3A_365 : memref<26x128xf32, #tpu.memory_space<vmem_shared>>) target(%dma_start3A_359 : memref<64x128xf32, #tpu.memory_space<vmem>>) offsets(%dma_start3A_362 : memref<64xi32, #tpu.memory_space<vmem>>) semaphore(%arg8 : memref<!tpu.dma_semaphore, #tpu.memory_space<semaphore_mem>>)
    %dma_wait3A_366 = arith.constant 7 : i32
    %dma_wait3A_367 = arith.constant 1 : i32
    %dma_wait3A_368 = arith.constant 0 : i32
    %dma_wait3A_369 = arith.constant 0 : i32
    %dma_wait3A_370 = tpu.memref_slice %arg6[%dma_wait3A_367, %dma_wait3A_368, %dma_wait3A_369] : memref<2x64x128xf32, #tpu.memory_space<vmem>> -> memref<1x64x128xf32, #tpu.memory_space<vmem>>
    %dma_wait3A_371 = tpu.memref_squeeze %dma_wait3A_370 : memref<1x64x128xf32, #tpu.memory_space<vmem>> -> memref<64x128xf32, #tpu.memory_space<vmem>>
    %dma_wait3A_372 = arith.constant 0 : i32
    %dma_wait3A_373 = tpu.memref_slice %arg5[%dma_wait3A_366, %dma_wait3A_372] : memref<8x64xi32, #tpu.memory_space<vmem>> -> memref<1x64xi32, #tpu.memory_space<vmem>>
    %dma_wait3A_374 = tpu.memref_squeeze %dma_wait3A_373 : memref<1x64xi32, #tpu.memory_space<vmem>> -> memref<64xi32, #tpu.memory_space<vmem>>
    %dma_wait3A_375 = arith.constant 0 : i32
    %dma_wait3A_376 = arith.constant 0 : i32
    %dma_wait3A_377 = tpu.memref_slice %arg7[%dma_wait3A_375, %dma_wait3A_376] : memref<26x128xf32, #tpu.memory_space<vmem_shared>> -> memref<26x128xf32, #tpu.memory_space<vmem_shared>>
    tpu.wait_indirect_dma semaphore(%arg8 : memref<!tpu.dma_semaphore, #tpu.memory_space<semaphore_mem>>) src(%dma_wait3A_377 : memref<26x128xf32, #tpu.memory_space<vmem_shared>>) dst(%dma_wait3A_371 : memref<64x128xf32, #tpu.memory_space<vmem>>)
    %add3A_378 = arith.constant 448 : i32
    %add3A_379 = arith.addi %mul3A_2, %add3A_378 : i32
    %dma_start3A_380 = arith.constant 1 : i32
    %dma_start3A_381 = arith.constant 0 : i32
    %dma_start3A_382 = arith.constant 0 : i32
    %dma_start3A_383 = tpu.memref_slice %arg6[%dma_start3A_380, %dma_start3A_381, %dma_start3A_382] : memref<2x64x128xf32, #tpu.memory_space<vmem>> -> memref<1x64x128xf32, #tpu.memory_space<vmem>>
    %dma_start3A_384 = tpu.memref_squeeze %dma_start3A_383 : memref<1x64x128xf32, #tpu.memory_space<vmem>> -> memref<64x128xf32, #tpu.memory_space<vmem>>
    %dma_start3A_385 = arith.constant 0 : i32
    %dma_start3A_386 = tpu.memref_slice %arg4[%add3A_379, %dma_start3A_385] : memref<16384x128xf32, #tpu.memory_space<hbm>> -> memref<64x128xf32, #tpu.memory_space<hbm>>
    %dma_start3A_387 = arith.constant 0 : i32
    %dma_start3A_388 = tpu.memref_slice %arg4[%add3A_379, %dma_start3A_387] : memref<16384x128xf32, #tpu.memory_space<hbm>> -> memref<64x128xf32, #tpu.memory_space<hbm>>
    %dma_start3A_389 = arith.constant 0 : i32
    %dma_start3A_390 = arith.constant 0 : i32
    %dma_start3A_391 = tpu.memref_slice %arg6[%dma_start3A_380, %dma_start3A_389, %dma_start3A_390] : memref<2x64x128xf32, #tpu.memory_space<vmem>> -> memref<1x64x128xf32, #tpu.memory_space<vmem>>
    %dma_start3A_392 = tpu.memref_squeeze %dma_start3A_391 : memref<1x64x128xf32, #tpu.memory_space<vmem>> -> memref<64x128xf32, #tpu.memory_space<vmem>>
    tpu.enqueue_dma source(%dma_start3A_392 : memref<64x128xf32, #tpu.memory_space<vmem>>) target(%dma_start3A_388 : memref<64x128xf32, #tpu.memory_space<hbm>>) target_semaphore(%arg10 : memref<!tpu.dma_semaphore, #tpu.memory_space<semaphore_mem>>)
    %dma_wait3A_393 = arith.constant 1 : i32
    %dma_wait3A_394 = arith.constant 0 : i32
    %dma_wait3A_395 = arith.constant 0 : i32
    %dma_wait3A_396 = tpu.memref_slice %arg6[%dma_wait3A_393, %dma_wait3A_394, %dma_wait3A_395] : memref<2x64x128xf32, #tpu.memory_space<vmem>> -> memref<1x64x128xf32, #tpu.memory_space<vmem>>
    %dma_wait3A_397 = tpu.memref_squeeze %dma_wait3A_396 : memref<1x64x128xf32, #tpu.memory_space<vmem>> -> memref<64x128xf32, #tpu.memory_space<vmem>>
    %dma_wait3A_398 = arith.constant 0 : i32
    %dma_wait3A_399 = tpu.memref_slice %arg4[%add3A_379, %dma_wait3A_398] : memref<16384x128xf32, #tpu.memory_space<hbm>> -> memref<64x128xf32, #tpu.memory_space<hbm>>
    %dma_wait3A_400 = arith.constant 0 : i32
    %dma_wait3A_401 = tpu.memref_slice %arg4[%add3A_379, %dma_wait3A_400] : memref<16384x128xf32, #tpu.memory_space<hbm>> -> memref<64x128xf32, #tpu.memory_space<hbm>>
    %dma_wait3A_402 = arith.constant 0 : i32
    %dma_wait3A_403 = arith.constant 0 : i32
    %dma_wait3A_404 = tpu.memref_slice %arg6[%dma_wait3A_393, %dma_wait3A_402, %dma_wait3A_403] : memref<2x64x128xf32, #tpu.memory_space<vmem>> -> memref<1x64x128xf32, #tpu.memory_space<vmem>>
    %dma_wait3A_405 = tpu.memref_squeeze %dma_wait3A_404 : memref<1x64x128xf32, #tpu.memory_space<vmem>> -> memref<64x128xf32, #tpu.memory_space<vmem>>
    tpu.wait_dma2 semaphore(%arg10 : memref<!tpu.dma_semaphore, #tpu.memory_space<semaphore_mem>>) src(%dma_wait3A_405 : memref<64x128xf32, #tpu.memory_space<vmem>>) dst(%dma_wait3A_401 : memref<64x128xf32, #tpu.memory_space<hbm>>)
    %dma_wait3A_406 = arith.constant 0 : i32
    %dma_wait3A_407 = arith.constant 0 : i32
    %dma_wait3A_408 = arith.constant 0 : i32
    %dma_wait3A_409 = tpu.memref_slice %arg6[%dma_wait3A_406, %dma_wait3A_407, %dma_wait3A_408] : memref<2x64x128xf32, #tpu.memory_space<vmem>> -> memref<1x64x128xf32, #tpu.memory_space<vmem>>
    %dma_wait3A_410 = tpu.memref_squeeze %dma_wait3A_409 : memref<1x64x128xf32, #tpu.memory_space<vmem>> -> memref<64x128xf32, #tpu.memory_space<vmem>>
    %dma_wait3A_411 = arith.constant 0 : i32
    %dma_wait3A_412 = tpu.memref_slice %arg4[%add3A_327, %dma_wait3A_411] : memref<16384x128xf32, #tpu.memory_space<hbm>> -> memref<64x128xf32, #tpu.memory_space<hbm>>
    %dma_wait3A_413 = arith.constant 0 : i32
    %dma_wait3A_414 = tpu.memref_slice %arg4[%add3A_327, %dma_wait3A_413] : memref<16384x128xf32, #tpu.memory_space<hbm>> -> memref<64x128xf32, #tpu.memory_space<hbm>>
    %dma_wait3A_415 = arith.constant 0 : i32
    %dma_wait3A_416 = arith.constant 0 : i32
    %dma_wait3A_417 = tpu.memref_slice %arg6[%dma_wait3A_406, %dma_wait3A_415, %dma_wait3A_416] : memref<2x64x128xf32, #tpu.memory_space<vmem>> -> memref<1x64x128xf32, #tpu.memory_space<vmem>>
    %dma_wait3A_418 = tpu.memref_squeeze %dma_wait3A_417 : memref<1x64x128xf32, #tpu.memory_space<vmem>> -> memref<64x128xf32, #tpu.memory_space<vmem>>
    tpu.wait_dma2 semaphore(%arg9 : memref<!tpu.dma_semaphore, #tpu.memory_space<semaphore_mem>>) src(%dma_wait3A_418 : memref<64x128xf32, #tpu.memory_space<vmem>>) dst(%dma_wait3A_414 : memref<64x128xf32, #tpu.memory_space<hbm>>)
    return
  }
}

</mosaic_0001>

<sc_bundles>
// kernel: kernel.3.cloned.1.call-start
scs
__scs_entry_jumppad:
0x0: {  	(pc) =	sbr.rel $0x88, $3  }
0x1: {  	(tag) =	ssettag $0x0;
	lr =	simm.s32 $0x1  }
0x2: {  	[smem:$0x3F9F] =	sst lr;
	_ =	strace $0xD0000000  }
0x3: {  	_ = 	snop  }
0x4: {  	_ = 	snop  }
0x5: {  	_ = 	snop  }
0x6: {  	_ = 	snop  }
0x7: {  	_ = 	snop  }
__scs_overlays_trampoline_lowered:
0x8: {  	[smem:$0x3FAE] =	sst s0  }
0x9: {  	[smem:$0x3FAF] =	sst s1  }
0xa: {  	[smem:$0x3FB0] =	sst s2  }
0xb: {  	[smem:$0x3FB1] =	sst s3  }
0xc: {  	[smem:$0x3FB2] =	sst s4  }
0xd: {  	[smem:$0x3FB3] =	sst s5  }
0xe: {  	[smem:$0x3FB4] =	sst s6  }
0xf: {  	[smem:$0x3FB5] =	sst s7  }
0x10: {  	[smem:$0x3FB6] =	sst s8  }
0x11: {  	[smem:$0x3FB7] =	sst s9;
	s0 =	simm.s32 @!p0 $0x0  }
0x12: {  	s1 =	sld [smem:$0x3F9D];
	s0 =	simm.s32 @p0 $0x1  }
0x13: {  	[smem:$0x3FB8] =	sst s0;
	s0 =	simm.s32 @!p1 $0x0  }
0x14: {  	s2 =	sld [smem:$0x3F9C];
	s0 =	simm.s32 @p1 $0x1  }
0x15: {  	[smem:$0x3FB9] =	sst s0;
	s0 =	simm.s32 @!p2 $0x0  }
0x16: {  	s3 =	sld [smem:$0x3FDB];
	s0 =	simm.s32 @p2 $0x1  }
0x17: {  	s4 =	simm.s32 $0x1BF5;
	[smem:$0x3FBB] =	sst s0  }
0x18: {  	s0 =	sld [smem:$0x3F9E];
	_ =	swait.ge [sflag:s4], $0x0  }
0x19: {  	s7 =	sld [smem:$0x3F9F]  }
0x1a: {  	s8 =	sadd.s32 $0xFFFFE003, lr  }
0x1b: {  	s9 =	sadd.s32 $0xFFFFFEF7, lr;
	s5 =	simm.s32 $0xFFFFFFFF;
	p2 =	slt.u32 s8, $0xFFFFF086  }
0x1c: {  	p1 =	slt.u32 s9, $0xF7A;
	s5 =	simm.s32 @!p2 $0x0  }
0x1d: {  	s5 =	simm.s32 @p1 $0x1;
	p0 =	seq.s32 s7, s2  }
0x1e: {  	s7 =	smul.u32 @!p0 $0xF7A, s2;
	p2 =	seq.s32 @!p0 s5, $0x0  }
0x1f: {  	s9 =	smul.u32 $0xF7A, s1;
	s8 =	simm.s32 @!p0 $0x1BF5;
	p2 =	por !p2, p0  }
0x20: {  	[sflag:s8] =	ssyncset.s32 @!p0 $0xFFFFF086;
	s6 =	sadd.s32 @!p0 s3, s7;
	s7 =	simm.s32 @!p0 $0x108  }
0x21: {  	s3 =	sadd.s32 s3, s9;
	s6 =	sadd.s32 @!p0 $0x88, s6;
	s7 =	simm.s32 @p2 $0x1082  }
0x22: {  	[simem:s7], [sflag:s8] =	dma.local @!p0 [hbm:s6], $0xF7A  }
0x23: {  	s9 =	sor.u32 $0xD0000000, s2;
	s6 =	simm.s32 $0x108;
	_ =	swait.ge @!p0 [sflag:s8], $0x0  }
0x24: {  	s3 =	sadd.s32 $0x88, s3;
	s6 =	simm.s32 @!p1 $0x1082;
	[sflag:s4] =	ssyncset.s32 $0xFFFFF086  }
0x25: {  	[simem:s6], [sflag:s4] =	dma.local [hbm:s3], $0xF7A  }
0x26: {  	[smem:$0x3F9F] =	sst s1;
	(tag) =	ssettag s2;
	_ =	strace s9  }
0x27: {  	s1 =	sld [smem:$0x3FAF]  }
0x28: {  	s2 =	sld [smem:$0x3FB0]  }
0x29: {  	s4 =	sld [smem:$0x3FB2]  }
0x2a: {  	p0 =	seq.s32 s5, $0x0;
	s5 =	sld [smem:$0x3FB3]  }
0x2b: {  	s6 =	sld [smem:$0x3FB4]  }
0x2c: {  	s7 =	sld [smem:$0x3FB5]  }
0x2d: {  	s3 =	simm.s32 $0x108;
	s8 =	sld [smem:$0x3FB6]  }
0x2e: {  	s3 =	simm.s32 @!p0 $0x1082;
	s9 =	sld [smem:$0x3FB7]  }
0x2f: {  	lr =	sadd.s32 s0, s3;
	s0 =	sld [smem:$0x3FAE]  }
0x30: {  	s3 =	sld [smem:$0x3FB1]  }
0x31: {  	[smem:$0x3FBA] =	sst s10  }
0x32: {  	s10 =	sld [smem:$0x3FB8];
	_ =	sdelay $0x3  }
0x33: {  	p0 =	seq.s32 s10, $0x1;
	s10 =	sld [smem:$0x3FBA];
	_ =	sdelay $0x3  }
0x34: {  	[smem:$0x3FBA] =	sst s10  }
0x35: {  	s10 =	sld [smem:$0x3FB9];
	_ =	sdelay $0x3  }
0x36: {  	p1 =	seq.s32 s10, $0x1;
	s10 =	sld [smem:$0x3FBA];
	_ =	sdelay $0x3  }
0x37: {  	[smem:$0x3FBA] =	sst s10  }
0x38: {  	s10 =	sld [smem:$0x3FBB]  }
0x39: {  	_ = 	snop;
	(pc) =	sbr.ind lr, $3  }
0x3a: {  	_ = 	snop  }
0x3b: {  	_ = 	snop  }
0x3c: {  	p2 =	seq.s32 s10, $0x1;
	s10 =	sld [smem:$0x3FBA]  }
0x3d: {  	_ =	shalt  }
0x3e: {  	_ =	shalt  }
0x3f: {  	_ =	shalt  }
0x40: {  	_ =	shalt  }
0x41: {  	_ =	shalt  }
0x42: {  	_ =	shalt  }
0x43: {  	_ =	shalt  }
0x44: {  	_ =	shalt  }
0x45: {  	_ =	shalt  }
0x46: {  	_ =	shalt  }
0x47: {  	_ =	shalt  }
0x48: {  	_ =	shalt  }
0x49: {  	_ =	shalt  }
0x4a: {  	_ =	shalt  }
0x4b: {  	_ =	shalt  }
0x4c: {  	_ =	shalt  }
0x4d: {  	_ =	shalt  }
0x4e: {  	_ =	shalt  }
0x4f: {  	_ =	shalt  }
0x50: {  	_ =	shalt  }
0x51: {  	_ =	shalt  }
0x52: {  	_ =	shalt  }
0x53: {  	_ =	shalt  }
0x54: {  	_ =	shalt  }
0x55: {  	_ =	shalt  }
0x56: {  	_ =	shalt  }
0x57: {  	_ =	shalt  }
0x58: {  	_ =	shalt  }
0x59: {  	_ =	shalt  }
0x5a: {  	_ =	shalt  }
0x5b: {  	_ =	shalt  }
0x5c: {  	_ =	shalt  }
0x5d: {  	_ =	shalt  }
0x5e: {  	_ =	shalt  }
0x5f: {  	_ =	shalt  }
0x60: {  	_ =	shalt  }
0x61: {  	_ =	shalt  }
0x62: {  	_ =	shalt  }
0x63: {  	_ =	shalt  }
0x64: {  	_ =	shalt  }
0x65: {  	_ =	shalt  }
0x66: {  	_ =	shalt  }
0x67: {  	_ =	shalt  }
0x68: {  	_ =	shalt  }
0x69: {  	_ =	shalt  }
0x6a: {  	_ =	shalt  }
0x6b: {  	_ =	shalt  }
0x6c: {  	_ =	shalt  }
0x6d: {  	_ =	shalt  }
0x6e: {  	_ =	shalt  }
0x6f: {  	_ =	shalt  }
0x70: {  	_ =	shalt  }
0x71: {  	_ =	shalt  }
0x72: {  	_ =	shalt  }
0x73: {  	_ =	shalt  }
0x74: {  	_ =	shalt  }
0x75: {  	_ =	shalt  }
0x76: {  	_ =	shalt  }
0x77: {  	_ =	shalt  }
0x78: {  	_ =	shalt  }
0x79: {  	_ =	shalt  }
0x7a: {  	_ =	shalt  }
0x7b: {  	_ =	shalt  }
0x7c: {  	_ =	shalt  }
0x7d: {  	_ =	shalt  }
0x7e: {  	_ =	shalt  }
0x7f: {  	_ =	shalt  }
0x80: {  	_ =	shalt  }
0x81: {  	_ =	shalt  }
0x82: {  	_ =	shalt  }
0x83: {  	_ =	shalt  }
0x84: {  	_ =	shalt  }
0x85: {  	_ =	shalt  }
0x86: {  	_ =	shalt  }
0x87: {  	_ =	shalt  }
.Lfunc_end0:
.L_simem_size_0:
called_computation_lowered:
.L_overlay_start_0:
0x88: {  	s2 =	sld [smem:$0x3FD9]  }
0x89: {  	s3 =	sld [smem:$0x3FFE];
	_ =	sdelay $0x1  }
0x8a: {  	s1 =	srdreg.scid  }
0x8b: {  	s0 =	sand.u32 $0x1, s1  }
0x8c: {  	s17 =	sshll.u32 s0, $0xA;
	s2 =	sadd.s32 s3, s2  }
0x8d: {  	s2 =	sadd.s32 s2, s17  }
0x8e: {  	[smem:$0x3FC6] =	sst s2  }
0x8f: {  	_ = 	snop  }
0x90: {  	s2 =	sld [smem:$0x3FC8]  }
0x91: {  	s18 =	sld [smem:$0x3FD0];
	(tm) =	ssettm $0x1  }
0x92: {  	s4 =	sld [smem:$0x3FFB];
	_ =	sdelay $0x3  }
0x93: {  	_ =	strace s4  }
0x94: {  	s4 =	sld [smem:$0x3FFC];
	_ =	sdelay $0x3  }
0x95: {  	_ =	strace s4  }
0x96: {  	s4 =	sld [smem:$0x3FFD];
	_ =	sdelay $0x3  }
0x97: {  	_ =	strace s4  }
0x98: {  	_ =	strace $0x8FFFFFFF  }
0x99: {  	s19 =	sld [smem:$0x3FDB];
	_ =	sdelay $0x1  }
0x9a: {  	s5 =	simm.s32 $_scs_section_size  }
0x9b: {  	s6 =	simm.s32 $_size__tile_overlayer_lowered;
	s7 =	simm.s32 $_tile_overlayer_lowered  }
0x9c: {  	s22 =	simm.s32 $0x1BFF;
	s21 =	sshll.u32 s7, $0x1;
	s4 =	sadd.s32 s5, s19  }
0x9d: {  	s8 =	simm.s32 $0x0;
	s20 =	sshll.u32 s6, $0x1;
	s6 =	sadd.s32 s21, s4  }
0x9e: {  	[timem:s8], [sflag:s22] =	dma.local [hbm:s6], s20  }
0x9f: {  	_ =	swait.ge [sflag:s22], s20  }
0xa0: {  	s5 =	ssub.s32 $0x0, s20;
	[sflag:s22] =	ssyncset.done $0x0  }
0xa1: {  	[sflag:s22] =	ssyncadd.s32 s5;
	_ =	sdelay $0x1  }
0xa2: {  	s23 =	simm.s32 $0x1B8B  }
0xa3: {  	_ =	swait.ge [sflag:s23], $0x1  }
0xa4: {  	[sflag:s23] =	ssyncset.done $0x0  }
0xa5: {  	s25 =	simm.s32 $0x1B8E;
	s24 =	sld [smem:$0x3FFE];
	[sflag:s23] =	ssyncadd.s32 $0xFFFFFFFF  }
0xa6: {  	s26 =	simm.s32 $execute0_lowered;
	[smem:$0x3FD2] =	sst s25  }
0xa7: {  	s6 =	sshll.u32 s26, $0x1;
	_ =	strace $0x80000046;
	[dreg:$0x1] =	wrdreg $0xFFFFFFFF  }
0xa8: {  	s28 =	simm.s32 $_size_execute0_lowered;
	s4 =	sadd.s32 s4, s6;
	[dreg:$0x0] =	wrdreg $0x0  }
0xa9: {  	s6 =	sshll.u32 s28, $0x1;
	[dreg:$0x2] =	wrdreg s4  }
0xaa: {  	[dreg:$0x3] =	wrdreg s6  }
0xab: {  	[dreg:$0x4] =	wrdreg $0xC0  }
0xac: {  	_ =	task [dreg:s8], $0x5FFFF  }
0xad: {  	[dreg:$0x1] =	wrdreg $0xFFFFFFFF  }
0xae: {  	[dreg:$0x0] =	wrdreg $0x60  }
0xaf: {  	[dreg:$0x2] =	wrdreg s24  }
0xb0: {  	[dreg:$0x3] =	wrdreg s2  }
0xb1: {  	[dreg:$0x4] =	wrdreg s18  }
0xb2: {  	[dreg:$0x5] =	wrdreg $0x44000  }
0xb3: {  	[dreg:$0x6] =	wrdreg $0x9  }
0xb4: {  	_ =	task.clear_ibuf [dreg:s8], $0x7FFFF;
	_ =	strace $0x90000046  }
0xb5: {  	s29 =	simm.s32 $0x9;
	_ =	strace $0x80000048  }
0xb6: {  	_ =	swait.ge [sflag:s29], $0x1  }
0xb7: {  	[sflag:s29] =	ssyncadd.s32 $0xFFFFFFFF  }
0xb8: {  	_ =	strace $0x90000048  }
0xb9: {  	_ =	sfence  }
0xba: {  	s30 =	sld [smem:$0x0];
	_ =	sdelay $0x2  }
0xbb: {  	s31 =	sshll.u32 s1, $0xD;
	s1 =	sshrl.u32 s1, $0x2  }
0xbc: {  	s3 =	sand.u32 $0x4000, s31;
	s1 =	sadd.s32 s1, s30  }
0xbd: {  	s0 =	sor.u32 s3, s0;
	s1 =	sshll.u32 s1, $0x11  }
0xbe: {  	s0 =	sor.u32 s1, s0  }
0xbf: {  	s0 =	sadd.s32 $0x8F2B, s0  }
0xc0: {  	[sflag:s0] =	ssyncadd.remote.s32 $0x1  }
0xc1: {  	_ =	sfence.sel $0xFFFF  }
0xc2: {  	[dreg:$0x0] =	wrdreg $0xFFFFFFFF;
	(pc) =	sbr.abs _section_cstart, $3  }
0xc3: {  	[dreg:$0x1] =	wrdreg $0xFFFFFFFF  }
0xc4: {  	_ =	task.clear_ibuf [dreg:s8], $0x2FFFF;
	_ =	strace $0x9FFFFFFF  }
0xc5: {  	(tm) =	ssettm $0x7FFFFFFF  }
tec
execute0_lowered:
.L_overlay_start_1:
0x0: {  	(tag) =	ssettag $0x1  }
0x1: {  	s6 =	rddreg [dreg:$0x0]  }
0x2: {  	s0 =	rddreg [dreg:$0x1]  }
0x3: {  	s11 =	rddreg [dreg:$0x2]  }
0x4: {  	s1 =	rddreg [dreg:$0x3]  }
0x5: {  	[dreg:$0x5] =	wrdreg s0  }
0x6: {  	s2 =	simm.s32 $0x0;
	s3 =	srdreg.scid;
	s0 =	rddreg [dreg:$0x4]  }
0x7: {  	s4 =	stileid.u32;
	[smem:$0x7FF] =	sst s2  }
0x8: {  	s29 =	sand.u32 $0x1, s3;
	s26 =	sshll.u32 s4, $0x1;
	p0 =	sne.s32 s4, $0x0  }
0x9: {  	_ =	strace $0x80000047;
	s12 =	sor.u32 s29, s26;
	s3 =	sshrl.u32 @!p0 s1, $0x3  }
0xa: {  	s4 =	simm.s32 @!p0 $0x1C04;
	s5 =	simm.s32 @!p0 $0x4;
	s7 =	rddreg [dreg:$0x5]  }
0xb: {  	[spmem:s3], [sflag:s4] =	dma.local @!p0 [hbm:s7], $0x1A0  }
0xc: {  	s31 =	sshll.u32 s12, $0x7;
	_ =	swait.ge @!p0 [sflag:s5], $0x1A0  }
0xd: {  	s6 =	sadd.s32 s31, s6;
	[sflag:s5] =	ssyncset.done @!p0 $0x0  }
0xe: {  	s7 =	simm.s32 $0x4;
	s6 =	sadd.s32 $0x400, s6;
	[sflag:s5] =	ssyncadd.s32 @!p0 $0xFFFFFE60  }
0xf: {  	[tilespmem:s2], [sflag:$0x4] =	stream.linear.gather [hbm4b:s6+s2], $0x400, $0x38;
	[tilespmem:$0x44D0] =	vst v63  }
0x10: {  	_ =	swait.ge [sflag:s7], $0x400  }
0x11: {  	[sflag:s7] =	ssyncset.done $0x0  }
0x12: {  	s8 =	simm.s32 $0x40;
	[sflag:s7] =	ssyncadd.s32 $0xFFFFFC00  }
0x13: {  	s9 =	simm.s32 $0x400;
	s10 =	simm.s32 $0x1;
	[bflag:$0x0] =	sbarrier.arrive $0xFFFF  }
0x14: {  	[tilespmem:s9], [sflag:$0x1] =	stream.indirect.gather [spmem:s1], $0x80, s2, s8, $0xb8;
	[tilespmem:$0x44D0] =	vst v63  }
0x15: {  	_ =	swait.ge [sflag:s10], $0x2000  }
0x16: {  	s12 =	sshll.u32 s12, $0xD;
	[sflag:s10] =	ssyncset.done $0x0  }
0x17: {  	s11 =	sadd.s32 s11, s12;
	[sflag:s10] =	ssyncadd.s32 $0xFFFFE000  }
0x18: {  	[hbm4b:s11+s2] =	stream.linear.scatter [tilespmem:s9], [sflag:$0x2], $0x2000, $0x38;
	[tilespmem:$0x44D0] =	vst v63  }
0x19: {  	s13 =	simm.s32 $0x2400;
	s12 =	simm.s32 $0x80  }
0x1a: {  	[tilespmem:s13], [sflag:$0x1] =	stream.indirect.gather [spmem:s1], $0x80, s12, s8, $0xb8;
	[tilespmem:$0x44D0] =	vst v63  }
0x1b: {  	_ =	swait.ge [sflag:s10], $0x2000  }
0x1c: {  	[sflag:s10] =	ssyncset.done $0x0  }
0x1d: {  	s14 =	simm.s32 $0x2;
	s15 =	sadd.s32 $0x400, s11;
	[sflag:s10] =	ssyncadd.s32 $0xFFFFE000  }
0x1e: {  	[hbm4b:s15+s2] =	stream.linear.scatter [tilespmem:s13], [sflag:$0x3], $0x2000, $0x38;
	[tilespmem:$0x44D0] =	vst v63  }
0x1f: {  	_ =	swait.ge [sflag:s14], $0x2000  }
0x20: {  	[sflag:s14] =	ssyncset.done $0x0  }
0x21: {  	s16 =	simm.s32 $0x100;
	[sflag:s14] =	ssyncadd.s32 $0xFFFFE000  }
0x22: {  	[tilespmem:s9], [sflag:$0x1] =	stream.indirect.gather [spmem:s1], $0x80, s16, s8, $0xb8;
	[tilespmem:$0x44D0] =	vst v63  }
0x23: {  	_ =	swait.ge [sflag:s10], $0x2000  }
0x24: {  	[sflag:s10] =	ssyncset.done $0x0  }
0x25: {  	s18 =	simm.s32 $0x3;
	s17 =	sadd.s32 $0x800, s11;
	[sflag:s10] =	ssyncadd.s32 $0xFFFFE000  }
0x26: {  	[hbm4b:s17+s2] =	stream.linear.scatter [tilespmem:s9], [sflag:$0x2], $0x2000, $0x38;
	[tilespmem:$0x44D0] =	vst v63  }
0x27: {  	_ =	swait.ge [sflag:s18], $0x2000  }
0x28: {  	[sflag:s18] =	ssyncset.done $0x0  }
0x29: {  	s19 =	simm.s32 $0x180;
	[sflag:s18] =	ssyncadd.s32 $0xFFFFE000  }
0x2a: {  	[tilespmem:s13], [sflag:$0x1] =	stream.indirect.gather [spmem:s1], $0x80, s19, s8, $0xb8;
	[tilespmem:$0x44D0] =	vst v63  }
0x2b: {  	_ =	swait.ge [sflag:s10], $0x2000  }
0x2c: {  	[sflag:s10] =	ssyncset.done $0x0  }
0x2d: {  	s20 =	sadd.s32 $0xC00, s11;
	[sflag:s10] =	ssyncadd.s32 $0xFFFFE000  }
0x2e: {  	[hbm4b:s20+s2] =	stream.linear.scatter [tilespmem:s13], [sflag:$0x3], $0x2000, $0x38;
	[tilespmem:$0x44D0] =	vst v63  }
0x2f: {  	_ =	swait.ge [sflag:s14], $0x2000  }
0x30: {  	[sflag:s14] =	ssyncset.done $0x0  }
0x31: {  	s21 =	simm.s32 $0x200;
	[sflag:s14] =	ssyncadd.s32 $0xFFFFE000  }
0x32: {  	[tilespmem:s9], [sflag:$0x1] =	stream.indirect.gather [spmem:s1], $0x80, s21, s8, $0xb8;
	[tilespmem:$0x44D0] =	vst v63  }
0x33: {  	_ =	swait.ge [sflag:s10], $0x2000  }
0x34: {  	[sflag:s10] =	ssyncset.done $0x0  }
0x35: {  	s22 =	sadd.s32 $0x1000, s11;
	[sflag:s10] =	ssyncadd.s32 $0xFFFFE000  }
0x36: {  	[hbm4b:s22+s2] =	stream.linear.scatter [tilespmem:s9], [sflag:$0x2], $0x2000, $0x38;
	[tilespmem:$0x44D0] =	vst v63  }
0x37: {  	_ =	swait.ge [sflag:s18], $0x2000  }
0x38: {  	[sflag:s18] =	ssyncset.done $0x0  }
0x39: {  	s23 =	simm.s32 $0x280;
	[sflag:s18] =	ssyncadd.s32 $0xFFFFE000  }
0x3a: {  	[tilespmem:s13], [sflag:$0x1] =	stream.indirect.gather [spmem:s1], $0x80, s23, s8, $0xb8;
	[tilespmem:$0x44D0] =	vst v63  }
0x3b: {  	_ =	swait.ge [sflag:s10], $0x2000  }
0x3c: {  	[sflag:s10] =	ssyncset.done $0x0  }
0x3d: {  	s24 =	sadd.s32 $0x1400, s11;
	[sflag:s10] =	ssyncadd.s32 $0xFFFFE000  }
0x3e: {  	[hbm4b:s24+s2] =	stream.linear.scatter [tilespmem:s13], [sflag:$0x3], $0x2000, $0x38;
	[tilespmem:$0x44D0] =	vst v63  }
0x3f: {  	_ =	swait.ge [sflag:s14], $0x2000  }
0x40: {  	[sflag:s14] =	ssyncset.done $0x0  }
0x41: {  	s25 =	simm.s32 $0x300;
	[sflag:s14] =	ssyncadd.s32 $0xFFFFE000  }
0x42: {  	[tilespmem:s9], [sflag:$0x1] =	stream.indirect.gather [spmem:s1], $0x80, s25, s8, $0xb8;
	[tilespmem:$0x44D0] =	vst v63  }
0x43: {  	_ =	swait.ge [sflag:s10], $0x2000  }
0x44: {  	[sflag:s10] =	ssyncset.done $0x0  }
0x45: {  	s26 =	sadd.s32 $0x1800, s11;
	[sflag:s10] =	ssyncadd.s32 $0xFFFFE000  }
0x46: {  	[hbm4b:s26+s2] =	stream.linear.scatter [tilespmem:s9], [sflag:$0x2], $0x2000, $0x38;
	[tilespmem:$0x44D0] =	vst v63  }
0x47: {  	s30 =	ssub.s32 $0x2, s29;
	_ =	swait.ge [sflag:s18], $0x2000  }
0x48: {  	s31 =	sshrl.u32 s30, $0x1;
	[sflag:s18] =	ssyncset.done $0x0  }
0x49: {  	s28 =	simm.s32 $0x380;
	s30 =	ssub.s32 s30, s31;
	[sflag:s18] =	ssyncadd.s32 $0xFFFFE000  }
0x4a: {  	[tilespmem:s13], [sflag:$0x1] =	stream.indirect.gather [spmem:s1], $0x80, s28, s8, $0xb8;
	[tilespmem:$0x44D0] =	vst v63  }
0x4b: {  	s30 =	smax.u32 s30, $0x1;
	_ =	swait.ge [sflag:s10], $0x2000  }
0x4c: {  	s30 =	sadd.s32 $0xFFFFFFFF, s30;
	[sflag:s10] =	ssyncset.done $0x0  }
0x4d: {  	s29 =	sadd.s32 $0x1C00, s11;
	p1 =	sne.s32 s30, $0x0;
	[sflag:s10] =	ssyncadd.s32 $0xFFFFE000  }
0x4e: {  	[hbm4b:s29+s2] =	stream.linear.scatter [tilespmem:s13], [sflag:$0x3], $0x2000, $0x38;
	[tilespmem:$0x44D0] =	vst v63  }
.Ltmp0:
0x4f: {  	_ =	swait.ge [sflag:s18], $0x2000;
	(pc) =	sbr.rel @!p1 .LBB2_2-.Ltmp0, $4  }
0x50: {  	[sflag:s18] =	ssyncset.done $0x0  }
0x51: {  	[sflag:s18] =	ssyncadd.s32 $0xFFFFE000  }
0x52: {  	_ =	swait.ge [sflag:s14], $0x2000  }
0x53: {  	[sflag:s14] =	ssyncset.done $0x0  }
.LBB2_1:
0x54: {  	s31 =	rddreg [dreg:$0x5];
	[sflag:s14] =	ssyncadd.s32 $0xFFFFE000  }
0x55: {  	[spmem:s3], [sflag:s4] =	dma.local @!p0 [hbm:s31], $0x1A0  }
0x56: {  	_ =	swait.ge @!p0 [sflag:s5], $0x1A0  }
0x57: {  	[sflag:s5] =	ssyncset.done @!p0 $0x0  }
0x58: {  	[sflag:s5] =	ssyncadd.s32 @!p0 $0xFFFFFE60  }
0x59: {  	[tilespmem:s2], [sflag:$0x4] =	stream.linear.gather [hbm4b:s6+s2], $0x400, $0x38;
	[tilespmem:$0x44D0] =	vst v63  }
0x5a: {  	_ =	swait.ge [sflag:s7], $0x400  }
0x5b: {  	[sflag:s7] =	ssyncset.done $0x0  }
0x5c: {  	[sflag:s7] =	ssyncadd.s32 $0xFFFFFC00  }
0x5d: {  	[bflag:$0x0] =	sbarrier.arrive $0xFFFF  }
0x5e: {  	[tilespmem:s9], [sflag:$0x1] =	stream.indirect.gather [spmem:s1], $0x80, s2, s8, $0xb8;
	[tilespmem:$0x44D0] =	vst v63  }
0x5f: {  	_ =	swait.ge [sflag:s10], $0x2000  }
0x60: {  	[sflag:s10] =	ssyncset.done $0x0  }
0x61: {  	[sflag:s10] =	ssyncadd.s32 $0xFFFFE000  }
0x62: {  	[hbm4b:s11+s2] =	stream.linear.scatter [tilespmem:s9], [sflag:$0x2], $0x2000, $0x38;
	[tilespmem:$0x44D0] =	vst v63  }
0x63: {  	_ = 	snop  }
0x64: {  	[tilespmem:s13], [sflag:$0x1] =	stream.indirect.gather [spmem:s1], $0x80, s12, s8, $0xb8;
	[tilespmem:$0x44D0] =	vst v63  }
0x65: {  	_ =	swait.ge [sflag:s10], $0x2000  }
0x66: {  	[sflag:s10] =	ssyncset.done $0x0  }
0x67: {  	[sflag:s10] =	ssyncadd.s32 $0xFFFFE000  }
0x68: {  	[hbm4b:s15+s2] =	stream.linear.scatter [tilespmem:s13], [sflag:$0x3], $0x2000, $0x38;
	[tilespmem:$0x44D0] =	vst v63  }
0x69: {  	_ =	swait.ge [sflag:s14], $0x2000  }
0x6a: {  	[sflag:s14] =	ssyncset.done $0x0  }
0x6b: {  	[sflag:s14] =	ssyncadd.s32 $0xFFFFE000  }
0x6c: {  	[tilespmem:s9], [sflag:$0x1] =	stream.indirect.gather [spmem:s1], $0x80, s16, s8, $0xb8;
	[tilespmem:$0x44D0] =	vst v63  }
0x6d: {  	_ =	swait.ge [sflag:s10], $0x2000  }
0x6e: {  	[sflag:s10] =	ssyncset.done $0x0  }
0x6f: {  	[sflag:s10] =	ssyncadd.s32 $0xFFFFE000  }
0x70: {  	[hbm4b:s17+s2] =	stream.linear.scatter [tilespmem:s9], [sflag:$0x2], $0x2000, $0x38;
	[tilespmem:$0x44D0] =	vst v63  }
0x71: {  	_ =	swait.ge [sflag:s18], $0x2000  }
0x72: {  	[sflag:s18] =	ssyncset.done $0x0  }
0x73: {  	[sflag:s18] =	ssyncadd.s32 $0xFFFFE000  }
0x74: {  	[tilespmem:s13], [sflag:$0x1] =	stream.indirect.gather [spmem:s1], $0x80, s19, s8, $0xb8;
	[tilespmem:$0x44D0] =	vst v63  }
0x75: {  	_ =	swait.ge [sflag:s10], $0x2000  }
0x76: {  	[sflag:s10] =	ssyncset.done $0x0  }
0x77: {  	[sflag:s10] =	ssyncadd.s32 $0xFFFFE000  }
0x78: {  	[hbm4b:s20+s2] =	stream.linear.scatter [tilespmem:s13], [sflag:$0x3], $0x2000, $0x38;
	[tilespmem:$0x44D0] =	vst v63  }
0x79: {  	_ =	swait.ge [sflag:s14], $0x2000  }
0x7a: {  	[sflag:s14] =	ssyncset.done $0x0  }
0x7b: {  	[sflag:s14] =	ssyncadd.s32 $0xFFFFE000  }
0x7c: {  	[tilespmem:s9], [sflag:$0x1] =	stream.indirect.gather [spmem:s1], $0x80, s21, s8, $0xb8;
	[tilespmem:$0x44D0] =	vst v63  }
0x7d: {  	_ =	swait.ge [sflag:s10], $0x2000  }
0x7e: {  	[sflag:s10] =	ssyncset.done $0x0  }
0x7f: {  	[sflag:s10] =	ssyncadd.s32 $0xFFFFE000  }
0x80: {  	[hbm4b:s22+s2] =	stream.linear.scatter [tilespmem:s9], [sflag:$0x2], $0x2000, $0x38;
	[tilespmem:$0x44D0] =	vst v63  }
0x81: {  	_ =	swait.ge [sflag:s18], $0x2000  }
0x82: {  	[sflag:s18] =	ssyncset.done $0x0  }
0x83: {  	[sflag:s18] =	ssyncadd.s32 $0xFFFFE000  }
0x84: {  	[tilespmem:s13], [sflag:$0x1] =	stream.indirect.gather [spmem:s1], $0x80, s23, s8, $0xb8;
	[tilespmem:$0x44D0] =	vst v63  }
0x85: {  	_ =	swait.ge [sflag:s10], $0x2000  }
0x86: {  	[sflag:s10] =	ssyncset.done $0x0  }
0x87: {  	[sflag:s10] =	ssyncadd.s32 $0xFFFFE000  }
0x88: {  	[hbm4b:s24+s2] =	stream.linear.scatter [tilespmem:s13], [sflag:$0x3], $0x2000, $0x38;
	[tilespmem:$0x44D0] =	vst v63  }
0x89: {  	_ =	swait.ge [sflag:s14], $0x2000  }
0x8a: {  	[sflag:s14] =	ssyncset.done $0x0  }
0x8b: {  	[sflag:s14] =	ssyncadd.s32 $0xFFFFE000  }
0x8c: {  	[tilespmem:s9], [sflag:$0x1] =	stream.indirect.gather [spmem:s1], $0x80, s25, s8, $0xb8;
	[tilespmem:$0x44D0] =	vst v63  }
0x8d: {  	_ =	swait.ge [sflag:s10], $0x2000  }
0x8e: {  	[sflag:s10] =	ssyncset.done $0x0  }
0x8f: {  	[sflag:s10] =	ssyncadd.s32 $0xFFFFE000  }
0x90: {  	[hbm4b:s26+s2] =	stream.linear.scatter [tilespmem:s9], [sflag:$0x2], $0x2000, $0x38;
	[tilespmem:$0x44D0] =	vst v63  }
0x91: {  	_ =	swait.ge [sflag:s18], $0x2000  }
0x92: {  	[sflag:s18] =	ssyncset.done $0x0  }
0x93: {  	[sflag:s18] =	ssyncadd.s32 $0xFFFFE000  }
0x94: {  	[tilespmem:s13], [sflag:$0x1] =	stream.indirect.gather [spmem:s1], $0x80, s28, s8, $0xb8;
	[tilespmem:$0x44D0] =	vst v63  }
0x95: {  	_ =	swait.ge [sflag:s10], $0x2000  }
0x96: {  	s30 =	sadd.s32 $0xFFFFFFFF, s30;
	[sflag:s10] =	ssyncset.done $0x0  }
0x97: {  	p1 =	sne.s32 s30, $0x0;
	[sflag:s10] =	ssyncadd.s32 $0xFFFFE000  }
0x98: {  	[hbm4b:s29+s2] =	stream.linear.scatter [tilespmem:s13], [sflag:$0x3], $0x2000, $0x38;
	[tilespmem:$0x44D0] =	vst v63  }
.Ltmp1:
0x99: {  	_ =	swait.ge [sflag:s18], $0x2000;
	(pc) =	sbr.rel @p1 .LBB2_1-.Ltmp1, $4  }
0x9a: {  	[sflag:s18] =	ssyncset.done $0x0  }
0x9b: {  	[sflag:s18] =	ssyncadd.s32 $0xFFFFE000  }
0x9c: {  	_ =	swait.ge [sflag:s14], $0x2000  }
0x9d: {  	[sflag:s14] =	ssyncset.done $0x0  }
.LBB2_2:
0x9e: {  	[sflag:s14] =	ssyncadd.s32 $0xFFFFE000  }
0x9f: {  	_ =	sfence.sel $0x180000  }
0xa0: {  	[bflag:$0x0] =	sbarrier.arrive $0xFFFF  }
0xa1: {  	_ =	strace $0x90000047  }
0xa2: {  	s0 =	sadd.s32 @!p0 $0x100000, s0;
	[bflag:$0x2] =	sbarrier.arrive $0xFFFF  }
0xa3: {  	[sflag:s0] =	ssyncadd.tile.s32 @!p0 $0x1;
	_ =	shalt  }
.Lfunc_end2:
_tile_overlayer_lowered:
.L_overlay_start_2:
0xa4: {  	(tag) =	ssettag $0x2  }
0xa5: {  	s0 =	rddreg [dreg:$0x0];
	s2 =	stileid.u32  }
0xa6: {  	s1 =	rddreg [dreg:$0x1];
	p0 =	sne.s32 s2, $0x0  }
0xa7: {  	s3 =	rddreg [dreg:$0x2];
	[bflag:$0x3] =	sbarrier.arrive $0xFFFF;
	s2 =	simm.s32 @!p0 $0x1C04  }
0xa8: {  	[timem:s3], [sflag:s2] =	dma.local @!p0 [hbm:s0], s1  }
0xa9: {  	s0 =	simm.s32 @!p0 $0x4  }
0xaa: {  	_ =	swait.ge @!p0 [sflag:s0], s1  }
0xab: {  	s1 =	ssub.s32 @!p0 $0x0, s1;
	[sflag:s0] =	ssyncset.done @!p0 $0x0  }
0xac: {  	[sflag:s0] =	ssyncadd.s32 @!p0 s1  }
0xad: {  	[bflag:$0x3] =	sbarrier.arrive $0xFFFF  }
0xae: {  	_ =	shalt  }

</sc_bundles>
